<compile_context>
chip_gen: v7x
topology: tpu7x:2x2x1
jax: 0.10.2.dev20260603
libtpu: 0.0.44.dev20260713+nightly
codegen_flags: <defaults>
</compile_context>

<pallas_src>
import functools

import jax
import jax.numpy as jnp
from jax import lax
from jax.experimental import pallas as pl
from jax.experimental.pallas import tpu as pltpu
from jax.experimental.pallas import tpu_sc as plsc

D = 32
NC, NS = 2, 16
NW = NC * NS
RPC = 4


def _make_gather(n_rows: int, seq: int, vocab: int):
    rows_per_w = n_rows // NW
    n_chunk = rows_per_w // RPC
    assert n_chunk % 2 == 0
    mesh = plsc.VectorSubcoreMesh(core_axis_name="c", subcore_axis_name="s")

    @functools.partial(
        pl.kernel,
        mesh=mesh,
        compiler_params=pltpu.CompilerParams(use_tc_tiling_on_sc=False),
        out_type=jax.ShapeDtypeStruct((n_rows, seq, D), jnp.float32),
        scratch_types=[
            pltpu.VMEM_SHARED((vocab, D), jnp.float32),
            pltpu.VMEM((RPC, seq), jnp.int32),
            pltpu.VMEM((RPC, seq), jnp.int32),
            pltpu.VMEM((RPC, seq, D), jnp.float32),
            pltpu.VMEM((RPC, seq, D), jnp.float32),
            pltpu.SemaphoreType.DMA,
            pltpu.SemaphoreType.DMA,
            pltpu.SemaphoreType.DMA,
            pltpu.SemaphoreType.DMA,
            pltpu.SemaphoreType.DMA,
            pltpu.SemaphoreType.DMA,
        ],
    )
    def gather_kernel(chars_hbm, table_hbm, out_hbm,
                      table_sh, idx0, idx1, rows0, rows1,
                      si0, si1, sg0, sg1, ss0, ss1):
        wid = lax.axis_index("s") * NC + lax.axis_index("c")
        wbase = wid * rows_per_w
        idx_v = (idx0, idx1)
        rows_v = (rows0, rows1)
        sem_i = (si0, si1)
        sem_g = (sg0, sg1)
        sem_s = (ss0, ss1)

        @pl.when(lax.axis_index("s") == 0)
        def _():
            pltpu.sync_copy(table_hbm, table_sh)
        plsc.subcore_barrier()

        def idx_copy(i, b):
            return pltpu.make_async_copy(
                chars_hbm.at[pl.ds(wbase + i * RPC, RPC)], idx_v[b], sem_i[b])

        def gather_copy(b, j):
            return pltpu.make_async_copy(
                table_sh.at[idx_v[b].at[j]], rows_v[b].at[j], sem_g[b])

        def gather_start(b):
            for j in range(RPC):
                gather_copy(b, j).start()

        def gather_wait(b):
            for j in range(RPC):
                gather_copy(b, j).wait()

        def store_copy(i, b):
            return pltpu.make_async_copy(
                rows_v[b], out_hbm.at[pl.ds(wbase + i * RPC, RPC)], sem_s[b])

        idx_copy(0, 0).start()
        idx_copy(1, 1).start()
        idx_copy(0, 0).wait()
        gather_start(0)

        def pipe_step(i, b, nb):
            gather_wait(b)
            store_copy(i, b).start()

            @pl.when(i + 1 < n_chunk)
            def _():
                idx_copy(i + 1, nb).wait()

                @pl.when(i >= 1)
                def _():
                    store_copy(i - 1, nb).wait()
                gather_start(nb)

                @pl.when(i + 2 < n_chunk)
                def _():
                    idx_copy(i + 2, b).start()

        def body(j, _):
            pipe_step(2 * j, 0, 1)
            pipe_step(2 * j + 1, 1, 0)
            return 0

        lax.fori_loop(0, n_chunk // 2, body, 0)

        store_copy(n_chunk - 2, (n_chunk - 2) % 2).wait()
        store_copy(n_chunk - 1, (n_chunk - 1) % 2).wait()

    return gather_kernel


def kernel(chars, table):
    b, s = chars.shape
    v, d = table.shape
    out = _make_gather(b, s, v)(chars.astype(jnp.int32), table)
    zero = lax.optimization_barrier(jnp.zeros((), jnp.float32))
    return out + zero

# --- scband reference (transcript-rebuilt; emitter-appended) ---
"""Pipeline reference for scband-chars2-vec-72773925863657 (READ-ONLY COPY).

The authoritative reference and input builder live on the scoring server;
editing this copy changes nothing except your own understanding.
"""

import jax, jax.numpy as jnp
import numpy as np

VOCAB = 1000
CHAR_VEC_DIM = 32
BATCH = 16384
SEQ = 200

def setup_inputs(seed: int = 0) -> dict:
    key = jax.random.key(seed)
    k_idx, k_tab = jax.random.split(key)
    chars = jax.random.randint(k_idx, (BATCH, SEQ), 0, VOCAB, dtype=jnp.int64 if jax.config.jax_enable_x64 else jnp.int32)
    # Pretrained FastText-style character embedding table (wv vectors)
    table = jax.random.normal(k_tab, (VOCAB, CHAR_VEC_DIM), dtype=jnp.float32)
    return {"chars": chars, "table": table}

def reference(chars, table):
    # Chars2Vec.forward: look up character vectors from the (frozen) FastText
    # embedding matrix: wv[chars] -> gather rows of the table.
    return jnp.take(table, chars, axis=0)

if __name__ == "__main__":
    import jax
    _d = setup_inputs()
    print(jax.jit(kernel)(*tuple(_d.values())))

</pallas_src>

<mosaic_0001>
#map = affine_map<(d0, d1) -> (0, 0)>
#map1 = affine_map<(d0, d1) -> (0, 0, 0)>
module attributes {stable_mosaic.version = 14 : i64} {
  func.func @gather_kernel(%arg0: i32, %arg1: i32, %arg2: memref<16384x200xi32, #tpu.memory_space<hbm>>, %arg3: memref<1000x32xf32, #tpu.memory_space<hbm>>, %arg4: memref<16384x200x32xf32, #tpu.memory_space<hbm>>, %arg5: memref<1000x32xf32, #tpu.memory_space<vmem_shared>>, %arg6: memref<4x200xi32, #tpu.memory_space<vmem>>, %arg7: memref<4x200xi32, #tpu.memory_space<vmem>>, %arg8: memref<4x200x32xf32, #tpu.memory_space<vmem>>, %arg9: memref<4x200x32xf32, #tpu.memory_space<vmem>>, %arg10: memref<!tpu.dma_semaphore, #tpu.memory_space<semaphore_mem>>, %arg11: memref<!tpu.dma_semaphore, #tpu.memory_space<semaphore_mem>>, %arg12: memref<!tpu.dma_semaphore, #tpu.memory_space<semaphore_mem>>, %arg13: memref<!tpu.dma_semaphore, #tpu.memory_space<semaphore_mem>>, %arg14: memref<!tpu.dma_semaphore, #tpu.memory_space<semaphore_mem>>, %arg15: memref<!tpu.dma_semaphore, #tpu.memory_space<semaphore_mem>>) attributes {dimension_semantics = [#tpu.dimension_semantics<core_parallel>, #tpu.dimension_semantics<subcore_parallel>], iteration_bounds = array<i64: 2, 16>, scalar_prefetch = 0 : i64, scratch_operands = 11 : i64, tpu.core_type = #tpu.core_type<sc_vector_subcore>, window_params = [{transform_indices = #map}, {transform_indices = #map}, {transform_indices = #map1}]} {
    %mul3A = arith.constant 2 : i32
    %mul3A_0 = arith.muli %arg1, %mul3A : i32
    %add3A = arith.addi %mul3A_0, %arg0 : i32
    %mul3A_1 = arith.constant 512 : i32
    %mul3A_2 = arith.muli %add3A, %mul3A_1 : i32
    %eq3A = arith.constant 0 : i32
    %eq3A_3 = arith.cmpi eq, %arg1, %eq3A : i32
    %convert_element_type3A = arith.extui %eq3A_3 : i1 to i32
    %cond3A = arith.constant 0 : i32
    %cond3A_4 = arith.cmpi ne, %convert_element_type3A, %cond3A : i32
    scf.if %cond3A_4 {
      "tpu.region"() ({
        %run_scoped3A = tpu.sem_alloc : memref<!tpu.dma_semaphore, #tpu.memory_space<semaphore_mem>>
        tpu.enqueue_dma source(%arg3 : memref<1000x32xf32, #tpu.memory_space<hbm>>) target(%arg5 : memref<1000x32xf32, #tpu.memory_space<vmem_shared>>) target_semaphore(%run_scoped3A : memref<!tpu.dma_semaphore, #tpu.memory_space<semaphore_mem>>)
        tpu.wait_dma2 semaphore(%run_scoped3A : memref<!tpu.dma_semaphore, #tpu.memory_space<semaphore_mem>>) src(%arg3 : memref<1000x32xf32, #tpu.memory_space<hbm>>) dst(%arg5 : memref<1000x32xf32, #tpu.memory_space<vmem_shared>>)
        tpu.yield
      }) : () -> ()
    } else {
    }
    %barrier3A = arith.constant 0 : index
    tpu.barrier barrier_id(%barrier3A)
    %add3A_5 = arith.constant 0 : i32
    %add3A_6 = arith.addi %mul3A_2, %add3A_5 : i32
    %dma_start3A = arith.constant 0 : i32
    %dma_start3A_7 = tpu.memref_slice %arg2[%add3A_6, %dma_start3A] : memref<16384x200xi32, #tpu.memory_space<hbm>> -> memref<4x200xi32, #tpu.memory_space<hbm>>
    %dma_start3A_8 = arith.constant 0 : i32
    %dma_start3A_9 = tpu.memref_slice %arg2[%add3A_6, %dma_start3A_8] : memref<16384x200xi32, #tpu.memory_space<hbm>> -> memref<4x200xi32, #tpu.memory_space<hbm>>
    tpu.enqueue_dma source(%dma_start3A_9 : memref<4x200xi32, #tpu.memory_space<hbm>>) target(%arg6 : memref<4x200xi32, #tpu.memory_space<vmem>>) target_semaphore(%arg10 : memref<!tpu.dma_semaphore, #tpu.memory_space<semaphore_mem>>)
    %add3A_10 = arith.constant 4 : i32
    %add3A_11 = arith.addi %mul3A_2, %add3A_10 : i32
    %dma_start3A_12 = arith.constant 0 : i32
    %dma_start3A_13 = tpu.memref_slice %arg2[%add3A_11, %dma_start3A_12] : memref<16384x200xi32, #tpu.memory_space<hbm>> -> memref<4x200xi32, #tpu.memory_space<hbm>>
    %dma_start3A_14 = arith.constant 0 : i32
    %dma_start3A_15 = tpu.memref_slice %arg2[%add3A_11, %dma_start3A_14] : memref<16384x200xi32, #tpu.memory_space<hbm>> -> memref<4x200xi32, #tpu.memory_space<hbm>>
    tpu.enqueue_dma source(%dma_start3A_15 : memref<4x200xi32, #tpu.memory_space<hbm>>) target(%arg7 : memref<4x200xi32, #tpu.memory_space<vmem>>) target_semaphore(%arg11 : memref<!tpu.dma_semaphore, #tpu.memory_space<semaphore_mem>>)
    %add3A_16 = arith.constant 0 : i32
    %add3A_17 = arith.addi %mul3A_2, %add3A_16 : i32
    %dma_wait3A = arith.constant 0 : i32
    %dma_wait3A_18 = tpu.memref_slice %arg2[%add3A_17, %dma_wait3A] : memref<16384x200xi32, #tpu.memory_space<hbm>> -> memref<4x200xi32, #tpu.memory_space<hbm>>
    %dma_wait3A_19 = arith.constant 0 : i32
    %dma_wait3A_20 = tpu.memref_slice %arg2[%add3A_17, %dma_wait3A_19] : memref<16384x200xi32, #tpu.memory_space<hbm>> -> memref<4x200xi32, #tpu.memory_space<hbm>>
    tpu.wait_dma2 semaphore(%arg10 : memref<!tpu.dma_semaphore, #tpu.memory_space<semaphore_mem>>) src(%dma_wait3A_20 : memref<4x200xi32, #tpu.memory_space<hbm>>) dst(%arg6 : memref<4x200xi32, #tpu.memory_space<vmem>>)
    %dma_start3A_21 = arith.constant 0 : i32
    %dma_start3A_22 = arith.constant 0 : i32
    %dma_start3A_23 = arith.constant 0 : i32
    %dma_start3A_24 = arith.constant 0 : i32
    %dma_start3A_25 = tpu.memref_slice %arg8[%dma_start3A_22, %dma_start3A_23, %dma_start3A_24] : memref<4x200x32xf32, #tpu.memory_space<vmem>> -> memref<1x200x32xf32, #tpu.memory_space<vmem>>
    %dma_start3A_26 = tpu.memref_squeeze %dma_start3A_25 : memref<1x200x32xf32, #tpu.memory_space<vmem>> -> memref<200x32xf32, #tpu.memory_space<vmem>>
    %dma_start3A_27 = arith.constant 0 : i32
    %dma_start3A_28 = tpu.memref_slice %arg6[%dma_start3A_21, %dma_start3A_27] : memref<4x200xi32, #tpu.memory_space<vmem>> -> memref<1x200xi32, #tpu.memory_space<vmem>>
    %dma_start3A_29 = tpu.memref_squeeze %dma_start3A_28 : memref<1x200xi32, #tpu.memory_space<vmem>> -> memref<200xi32, #tpu.memory_space<vmem>>
    %dma_start3A_30 = arith.constant 0 : i32
    %dma_start3A_31 = arith.constant 0 : i32
    %dma_start3A_32 = tpu.memref_slice %arg5[%dma_start3A_30, %dma_start3A_31] : memref<1000x32xf32, #tpu.memory_space<vmem_shared>> -> memref<1000x32xf32, #tpu.memory_space<vmem_shared>>
    tpu.enqueue_indirect_dma source(%dma_start3A_32 : memref<1000x32xf32, #tpu.memory_space<vmem_shared>>) target(%dma_start3A_26 : memref<200x32xf32, #tpu.memory_space<vmem>>) offsets(%dma_start3A_29 : memref<200xi32, #tpu.memory_space<vmem>>) semaphore(%arg12 : memref<!tpu.dma_semaphore, #tpu.memory_space<semaphore_mem>>)
    %dma_start3A_33 = arith.constant 1 : i32
    %dma_start3A_34 = arith.constant 1 : i32
    %dma_start3A_35 = arith.constant 0 : i32
    %dma_start3A_36 = arith.constant 0 : i32
    %dma_start3A_37 = tpu.memref_slice %arg8[%dma_start3A_34, %dma_start3A_35, %dma_start3A_36] : memref<4x200x32xf32, #tpu.memory_space<vmem>> -> memref<1x200x32xf32, #tpu.memory_space<vmem>>
    %dma_start3A_38 = tpu.memref_squeeze %dma_start3A_37 : memref<1x200x32xf32, #tpu.memory_space<vmem>> -> memref<200x32xf32, #tpu.memory_space<vmem>>
    %dma_start3A_39 = arith.constant 0 : i32
    %dma_start3A_40 = tpu.memref_slice %arg6[%dma_start3A_33, %dma_start3A_39] : memref<4x200xi32, #tpu.memory_space<vmem>> -> memref<1x200xi32, #tpu.memory_space<vmem>>
    %dma_start3A_41 = tpu.memref_squeeze %dma_start3A_40 : memref<1x200xi32, #tpu.memory_space<vmem>> -> memref<200xi32, #tpu.memory_space<vmem>>
    %dma_start3A_42 = arith.constant 0 : i32
    %dma_start3A_43 = arith.constant 0 : i32
    %dma_start3A_44 = tpu.memref_slice %arg5[%dma_start3A_42, %dma_start3A_43] : memref<1000x32xf32, #tpu.memory_space<vmem_shared>> -> memref<1000x32xf32, #tpu.memory_space<vmem_shared>>
    tpu.enqueue_indirect_dma source(%dma_start3A_44 : memref<1000x32xf32, #tpu.memory_space<vmem_shared>>) target(%dma_start3A_38 : memref<200x32xf32, #tpu.memory_space<vmem>>) offsets(%dma_start3A_41 : memref<200xi32, #tpu.memory_space<vmem>>) semaphore(%arg12 : memref<!tpu.dma_semaphore, #tpu.memory_space<semaphore_mem>>)
    %dma_start3A_45 = arith.constant 2 : i32
    %dma_start3A_46 = arith.constant 2 : i32
    %dma_start3A_47 = arith.constant 0 : i32
    %dma_start3A_48 = arith.constant 0 : i32
    %dma_start3A_49 = tpu.memref_slice %arg8[%dma_start3A_46, %dma_start3A_47, %dma_start3A_48] : memref<4x200x32xf32, #tpu.memory_space<vmem>> -> memref<1x200x32xf32, #tpu.memory_space<vmem>>
    %dma_start3A_50 = tpu.memref_squeeze %dma_start3A_49 : memref<1x200x32xf32, #tpu.memory_space<vmem>> -> memref<200x32xf32, #tpu.memory_space<vmem>>
    %dma_start3A_51 = arith.constant 0 : i32
    %dma_start3A_52 = tpu.memref_slice %arg6[%dma_start3A_45, %dma_start3A_51] : memref<4x200xi32, #tpu.memory_space<vmem>> -> memref<1x200xi32, #tpu.memory_space<vmem>>
    %dma_start3A_53 = tpu.memref_squeeze %dma_start3A_52 : memref<1x200xi32, #tpu.memory_space<vmem>> -> memref<200xi32, #tpu.memory_space<vmem>>
    %dma_start3A_54 = arith.constant 0 : i32
    %dma_start3A_55 = arith.constant 0 : i32
    %dma_start3A_56 = tpu.memref_slice %arg5[%dma_start3A_54, %dma_start3A_55] : memref<1000x32xf32, #tpu.memory_space<vmem_shared>> -> memref<1000x32xf32, #tpu.memory_space<vmem_shared>>
    tpu.enqueue_indirect_dma source(%dma_start3A_56 : memref<1000x32xf32, #tpu.memory_space<vmem_shared>>) target(%dma_start3A_50 : memref<200x32xf32, #tpu.memory_space<vmem>>) offsets(%dma_start3A_53 : memref<200xi32, #tpu.memory_space<vmem>>) semaphore(%arg12 : memref<!tpu.dma_semaphore, #tpu.memory_space<semaphore_mem>>)
    %dma_start3A_57 = arith.constant 3 : i32
    %dma_start3A_58 = arith.constant 3 : i32
    %dma_start3A_59 = arith.constant 0 : i32
    %dma_start3A_60 = arith.constant 0 : i32
    %dma_start3A_61 = tpu.memref_slice %arg8[%dma_start3A_58, %dma_start3A_59, %dma_start3A_60] : memref<4x200x32xf32, #tpu.memory_space<vmem>> -> memref<1x200x32xf32, #tpu.memory_space<vmem>>
    %dma_start3A_62 = tpu.memref_squeeze %dma_start3A_61 : memref<1x200x32xf32, #tpu.memory_space<vmem>> -> memref<200x32xf32, #tpu.memory_space<vmem>>
    %dma_start3A_63 = arith.constant 0 : i32
    %dma_start3A_64 = tpu.memref_slice %arg6[%dma_start3A_57, %dma_start3A_63] : memref<4x200xi32, #tpu.memory_space<vmem>> -> memref<1x200xi32, #tpu.memory_space<vmem>>
    %dma_start3A_65 = tpu.memref_squeeze %dma_start3A_64 : memref<1x200xi32, #tpu.memory_space<vmem>> -> memref<200xi32, #tpu.memory_space<vmem>>
    %dma_start3A_66 = arith.constant 0 : i32
    %dma_start3A_67 = arith.constant 0 : i32
    %dma_start3A_68 = tpu.memref_slice %arg5[%dma_start3A_66, %dma_start3A_67] : memref<1000x32xf32, #tpu.memory_space<vmem_shared>> -> memref<1000x32xf32, #tpu.memory_space<vmem_shared>>
    tpu.enqueue_indirect_dma source(%dma_start3A_68 : memref<1000x32xf32, #tpu.memory_space<vmem_shared>>) target(%dma_start3A_62 : memref<200x32xf32, #tpu.memory_space<vmem>>) offsets(%dma_start3A_65 : memref<200xi32, #tpu.memory_space<vmem>>) semaphore(%arg12 : memref<!tpu.dma_semaphore, #tpu.memory_space<semaphore_mem>>)
    %scan3A = arith.constant 0 : i32
    %scan3A_69 = arith.constant 0 : i32
    %scan3A_70 = arith.constant 64 : i32
    %scan3A_71 = arith.addi %scan3A_69, %scan3A_70 : i32
    %scan3A_72 = arith.constant 1 : i32
    %scan3A_73 = scf.for %scan3A_91 = %scan3A_69 to %scan3A_71 step %scan3A_72 iter_args(%scan3A_92 = %scan3A) -> (i32)  : i32 {
      %mul3A_93 = arith.constant 2 : i32
      %mul3A_94 = arith.muli %mul3A_93, %scan3A_91 : i32
      %dma_wait3A_95 = arith.constant 0 : i32
      %dma_wait3A_96 = arith.constant 0 : i32
      %dma_wait3A_97 = arith.constant 0 : i32
      %dma_wait3A_98 = arith.constant 0 : i32
      %dma_wait3A_99 = tpu.memref_slice %arg8[%dma_wait3A_96, %dma_wait3A_97, %dma_wait3A_98] : memref<4x200x32xf32, #tpu.memory_space<vmem>> -> memref<1x200x32xf32, #tpu.memory_space<vmem>>
      %dma_wait3A_100 = tpu.memref_squeeze %dma_wait3A_99 : memref<1x200x32xf32, #tpu.memory_space<vmem>> -> memref<200x32xf32, #tpu.memory_space<vmem>>
      %dma_wait3A_101 = arith.constant 0 : i32
      %dma_wait3A_102 = tpu.memref_slice %arg6[%dma_wait3A_95, %dma_wait3A_101] : memref<4x200xi32, #tpu.memory_space<vmem>> -> memref<1x200xi32, #tpu.memory_space<vmem>>
      %dma_wait3A_103 = tpu.memref_squeeze %dma_wait3A_102 : memref<1x200xi32, #tpu.memory_space<vmem>> -> memref<200xi32, #tpu.memory_space<vmem>>
      %dma_wait3A_104 = arith.constant 0 : i32
      %dma_wait3A_105 = arith.constant 0 : i32
      %dma_wait3A_106 = tpu.memref_slice %arg5[%dma_wait3A_104, %dma_wait3A_105] : memref<1000x32xf32, #tpu.memory_space<vmem_shared>> -> memref<1000x32xf32, #tpu.memory_space<vmem_shared>>
      tpu.wait_indirect_dma semaphore(%arg12 : memref<!tpu.dma_semaphore, #tpu.memory_space<semaphore_mem>>) src(%dma_wait3A_106 : memref<1000x32xf32, #tpu.memory_space<vmem_shared>>) dst(%dma_wait3A_100 : memref<200x32xf32, #tpu.memory_space<vmem>>)
      %dma_wait3A_107 = arith.constant 1 : i32
      %dma_wait3A_108 = arith.constant 1 : i32
      %dma_wait3A_109 = arith.constant 0 : i32
      %dma_wait3A_110 = arith.constant 0 : i32
      %dma_wait3A_111 = tpu.memref_slice %arg8[%dma_wait3A_108, %dma_wait3A_109, %dma_wait3A_110] : memref<4x200x32xf32, #tpu.memory_space<vmem>> -> memref<1x200x32xf32, #tpu.memory_space<vmem>>
      %dma_wait3A_112 = tpu.memref_squeeze %dma_wait3A_111 : memref<1x200x32xf32, #tpu.memory_space<vmem>> -> memref<200x32xf32, #tpu.memory_space<vmem>>
      %dma_wait3A_113 = arith.constant 0 : i32
      %dma_wait3A_114 = tpu.memref_slice %arg6[%dma_wait3A_107, %dma_wait3A_113] : memref<4x200xi32, #tpu.memory_space<vmem>> -> memref<1x200xi32, #tpu.memory_space<vmem>>
      %dma_wait3A_115 = tpu.memref_squeeze %dma_wait3A_114 : memref<1x200xi32, #tpu.memory_space<vmem>> -> memref<200xi32, #tpu.memory_space<vmem>>
      %dma_wait3A_116 = arith.constant 0 : i32
      %dma_wait3A_117 = arith.constant 0 : i32
      %dma_wait3A_118 = tpu.memref_slice %arg5[%dma_wait3A_116, %dma_wait3A_117] : memref<1000x32xf32, #tpu.memory_space<vmem_shared>> -> memref<1000x32xf32, #tpu.memory_space<vmem_shared>>
      tpu.wait_indirect_dma semaphore(%arg12 : memref<!tpu.dma_semaphore, #tpu.memory_space<semaphore_mem>>) src(%dma_wait3A_118 : memref<1000x32xf32, #tpu.memory_space<vmem_shared>>) dst(%dma_wait3A_112 : memref<200x32xf32, #tpu.memory_space<vmem>>)
      %dma_wait3A_119 = arith.constant 2 : i32
      %dma_wait3A_120 = arith.constant 2 : i32
      %dma_wait3A_121 = arith.constant 0 : i32
      %dma_wait3A_122 = arith.constant 0 : i32
      %dma_wait3A_123 = tpu.memref_slice %arg8[%dma_wait3A_120, %dma_wait3A_121, %dma_wait3A_122] : memref<4x200x32xf32, #tpu.memory_space<vmem>> -> memref<1x200x32xf32, #tpu.memory_space<vmem>>
      %dma_wait3A_124 = tpu.memref_squeeze %dma_wait3A_123 : memref<1x200x32xf32, #tpu.memory_space<vmem>> -> memref<200x32xf32, #tpu.memory_space<vmem>>
      %dma_wait3A_125 = arith.constant 0 : i32
      %dma_wait3A_126 = tpu.memref_slice %arg6[%dma_wait3A_119, %dma_wait3A_125] : memref<4x200xi32, #tpu.memory_space<vmem>> -> memref<1x200xi32, #tpu.memory_space<vmem>>
      %dma_wait3A_127 = tpu.memref_squeeze %dma_wait3A_126 : memref<1x200xi32, #tpu.memory_space<vmem>> -> memref<200xi32, #tpu.memory_space<vmem>>
      %dma_wait3A_128 = arith.constant 0 : i32
      %dma_wait3A_129 = arith.constant 0 : i32
      %dma_wait3A_130 = tpu.memref_slice %arg5[%dma_wait3A_128, %dma_wait3A_129] : memref<1000x32xf32, #tpu.memory_space<vmem_shared>> -> memref<1000x32xf32, #tpu.memory_space<vmem_shared>>
      tpu.wait_indirect_dma semaphore(%arg12 : memref<!tpu.dma_semaphore, #tpu.memory_space<semaphore_mem>>) src(%dma_wait3A_130 : memref<1000x32xf32, #tpu.memory_space<vmem_shared>>) dst(%dma_wait3A_124 : memref<200x32xf32, #tpu.memory_space<vmem>>)
      %dma_wait3A_131 = arith.constant 3 : i32
      %dma_wait3A_132 = arith.constant 3 : i32
      %dma_wait3A_133 = arith.constant 0 : i32
      %dma_wait3A_134 = arith.constant 0 : i32
      %dma_wait3A_135 = tpu.memref_slice %arg8[%dma_wait3A_132, %dma_wait3A_133, %dma_wait3A_134] : memref<4x200x32xf32, #tpu.memory_space<vmem>> -> memref<1x200x32xf32, #tpu.memory_space<vmem>>
      %dma_wait3A_136 = tpu.memref_squeeze %dma_wait3A_135 : memref<1x200x32xf32, #tpu.memory_space<vmem>> -> memref<200x32xf32, #tpu.memory_space<vmem>>
      %dma_wait3A_137 = arith.constant 0 : i32
      %dma_wait3A_138 = tpu.memref_slice %arg6[%dma_wait3A_131, %dma_wait3A_137] : memref<4x200xi32, #tpu.memory_space<vmem>> -> memref<1x200xi32, #tpu.memory_space<vmem>>
      %dma_wait3A_139 = tpu.memref_squeeze %dma_wait3A_138 : memref<1x200xi32, #tpu.memory_space<vmem>> -> memref<200xi32, #tpu.memory_space<vmem>>
      %dma_wait3A_140 = arith.constant 0 : i32
      %dma_wait3A_141 = arith.constant 0 : i32
      %dma_wait3A_142 = tpu.memref_slice %arg5[%dma_wait3A_140, %dma_wait3A_141] : memref<1000x32xf32, #tpu.memory_space<vmem_shared>> -> memref<1000x32xf32, #tpu.memory_space<vmem_shared>>
      tpu.wait_indirect_dma semaphore(%arg12 : memref<!tpu.dma_semaphore, #tpu.memory_space<semaphore_mem>>) src(%dma_wait3A_142 : memref<1000x32xf32, #tpu.memory_space<vmem_shared>>) dst(%dma_wait3A_136 : memref<200x32xf32, #tpu.memory_space<vmem>>)
      %mul3A_143 = arith.constant 4 : i32
      %mul3A_144 = arith.muli %mul3A_94, %mul3A_143 : i32
      %add3A_145 = arith.addi %mul3A_2, %mul3A_144 : i32
      %dma_start3A_146 = arith.constant 0 : i32
      %dma_start3A_147 = arith.constant 0 : i32
      %dma_start3A_148 = tpu.memref_slice %arg4[%add3A_145, %dma_start3A_146, %dma_start3A_147] : memref<16384x200x32xf32, #tpu.memory_space<hbm>> -> memref<4x200x32xf32, #tpu.memory_space<hbm>>
      %dma_start3A_149 = arith.constant 0 : i32
      %dma_start3A_150 = arith.constant 0 : i32
      %dma_start3A_151 = tpu.memref_slice %arg4[%add3A_145, %dma_start3A_149, %dma_start3A_150] : memref<16384x200x32xf32, #tpu.memory_space<hbm>> -> memref<4x200x32xf32, #tpu.memory_space<hbm>>
      tpu.enqueue_dma source(%arg8 : memref<4x200x32xf32, #tpu.memory_space<vmem>>) target(%dma_start3A_151 : memref<4x200x32xf32, #tpu.memory_space<hbm>>) target_semaphore(%arg14 : memref<!tpu.dma_semaphore, #tpu.memory_space<semaphore_mem>>)
      %add3A_152 = arith.constant 1 : i32
      %add3A_153 = arith.addi %mul3A_94, %add3A_152 : i32
      %lt3A = arith.constant 128 : i32
      %lt3A_154 = arith.cmpi slt, %add3A_153, %lt3A : i32
      %convert_element_type3A_155 = arith.extui %lt3A_154 : i1 to i32
      %cond3A_156 = arith.constant 0 : i32
      %cond3A_157 = arith.cmpi ne, %convert_element_type3A_155, %cond3A_156 : i32
      scf.if %cond3A_157 {
        %add3A_227 = arith.constant 1 : i32
        %add3A_228 = arith.addi %mul3A_94, %add3A_227 : i32
        %mul3A_229 = arith.constant 4 : i32
        %mul3A_230 = arith.muli %add3A_228, %mul3A_229 : i32
        %add3A_231 = arith.addi %mul3A_2, %mul3A_230 : i32
        %dma_wait3A_232 = arith.constant 0 : i32
        %dma_wait3A_233 = tpu.memref_slice %arg2[%add3A_231, %dma_wait3A_232] : memref<16384x200xi32, #tpu.memory_space<hbm>> -> memref<4x200xi32, #tpu.memory_space<hbm>>
        %dma_wait3A_234 = arith.constant 0 : i32
        %dma_wait3A_235 = tpu.memref_slice %arg2[%add3A_231, %dma_wait3A_234] : memref<16384x200xi32, #tpu.memory_space<hbm>> -> memref<4x200xi32, #tpu.memory_space<hbm>>
        tpu.wait_dma2 semaphore(%arg11 : memref<!tpu.dma_semaphore, #tpu.memory_space<semaphore_mem>>) src(%dma_wait3A_235 : memref<4x200xi32, #tpu.memory_space<hbm>>) dst(%arg7 : memref<4x200xi32, #tpu.memory_space<vmem>>)
        %ge3A = arith.constant 1 : i32
        %ge3A_236 = arith.cmpi sge, %mul3A_94, %ge3A : i32
        %convert_element_type3A_237 = arith.extui %ge3A_236 : i1 to i32
        %cond3A_238 = arith.constant 0 : i32
        %cond3A_239 = arith.cmpi ne, %convert_element_type3A_237, %cond3A_238 : i32
        scf.if %cond3A_239 {
          %sub3A = arith.constant 1 : i32
          %sub3A_295 = arith.subi %mul3A_94, %sub3A : i32
          %mul3A_296 = arith.constant 4 : i32
          %mul3A_297 = arith.muli %sub3A_295, %mul3A_296 : i32
          %add3A_298 = arith.addi %mul3A_2, %mul3A_297 : i32
          %dma_wait3A_299 = arith.constant 0 : i32
          %dma_wait3A_300 = arith.constant 0 : i32
          %dma_wait3A_301 = tpu.memref_slice %arg4[%add3A_298, %dma_wait3A_299, %dma_wait3A_300] : memref<16384x200x32xf32, #tpu.memory_space<hbm>> -> memref<4x200x32xf32, #tpu.memory_space<hbm>>
          %dma_wait3A_302 = arith.constant 0 : i32
          %dma_wait3A_303 = arith.constant 0 : i32
          %dma_wait3A_304 = tpu.memref_slice %arg4[%add3A_298, %dma_wait3A_302, %dma_wait3A_303] : memref<16384x200x32xf32, #tpu.memory_space<hbm>> -> memref<4x200x32xf32, #tpu.memory_space<hbm>>
          tpu.wait_dma2 semaphore(%arg15 : memref<!tpu.dma_semaphore, #tpu.memory_space<semaphore_mem>>) src(%arg9 : memref<4x200x32xf32, #tpu.memory_space<vmem>>) dst(%dma_wait3A_304 : memref<4x200x32xf32, #tpu.memory_space<hbm>>)
        } else {
        }
        %dma_start3A_240 = arith.constant 0 : i32
        %dma_start3A_241 = arith.constant 0 : i32
        %dma_start3A_242 = arith.constant 0 : i32
        %dma_start3A_243 = arith.constant 0 : i32
        %dma_start3A_244 = tpu.memref_slice %arg9[%dma_start3A_241, %dma_start3A_242, %dma_start3A_243] : memref<4x200x32xf32, #tpu.memory_space<vmem>> -> memref<1x200x32xf32, #tpu.memory_space<vmem>>
        %dma_start3A_245 = tpu.memref_squeeze %dma_start3A_244 : memref<1x200x32xf32, #tpu.memory_space<vmem>> -> memref<200x32xf32, #tpu.memory_space<vmem>>
        %dma_start3A_246 = arith.constant 0 : i32
        %dma_start3A_247 = tpu.memref_slice %arg7[%dma_start3A_240, %dma_start3A_246] : memref<4x200xi32, #tpu.memory_space<vmem>> -> memref<1x200xi32, #tpu.memory_space<vmem>>
        %dma_start3A_248 = tpu.memref_squeeze %dma_start3A_247 : memref<1x200xi32, #tpu.memory_space<vmem>> -> memref<200xi32, #tpu.memory_space<vmem>>
        %dma_start3A_249 = arith.constant 0 : i32
        %dma_start3A_250 = arith.constant 0 : i32
        %dma_start3A_251 = tpu.memref_slice %arg5[%dma_start3A_249, %dma_start3A_250] : memref<1000x32xf32, #tpu.memory_space<vmem_shared>> -> memref<1000x32xf32, #tpu.memory_space<vmem_shared>>
        tpu.enqueue_indirect_dma source(%dma_start3A_251 : memref<1000x32xf32, #tpu.memory_space<vmem_shared>>) target(%dma_start3A_245 : memref<200x32xf32, #tpu.memory_space<vmem>>) offsets(%dma_start3A_248 : memref<200xi32, #tpu.memory_space<vmem>>) semaphore(%arg13 : memref<!tpu.dma_semaphore, #tpu.memory_space<semaphore_mem>>)
        %dma_start3A_252 = arith.constant 1 : i32
        %dma_start3A_253 = arith.constant 1 : i32
        %dma_start3A_254 = arith.constant 0 : i32
        %dma_start3A_255 = arith.constant 0 : i32
        %dma_start3A_256 = tpu.memref_slice %arg9[%dma_start3A_253, %dma_start3A_254, %dma_start3A_255] : memref<4x200x32xf32, #tpu.memory_space<vmem>> -> memref<1x200x32xf32, #tpu.memory_space<vmem>>
        %dma_start3A_257 = tpu.memref_squeeze %dma_start3A_256 : memref<1x200x32xf32, #tpu.memory_space<vmem>> -> memref<200x32xf32, #tpu.memory_space<vmem>>
        %dma_start3A_258 = arith.constant 0 : i32
        %dma_start3A_259 = tpu.memref_slice %arg7[%dma_start3A_252, %dma_start3A_258] : memref<4x200xi32, #tpu.memory_space<vmem>> -> memref<1x200xi32, #tpu.memory_space<vmem>>
        %dma_start3A_260 = tpu.memref_squeeze %dma_start3A_259 : memref<1x200xi32, #tpu.memory_space<vmem>> -> memref<200xi32, #tpu.memory_space<vmem>>
        %dma_start3A_261 = arith.constant 0 : i32
        %dma_start3A_262 = arith.constant 0 : i32
        %dma_start3A_263 = tpu.memref_slice %arg5[%dma_start3A_261, %dma_start3A_262] : memref<1000x32xf32, #tpu.memory_space<vmem_shared>> -> memref<1000x32xf32, #tpu.memory_space<vmem_shared>>
        tpu.enqueue_indirect_dma source(%dma_start3A_263 : memref<1000x32xf32, #tpu.memory_space<vmem_shared>>) target(%dma_start3A_257 : memref<200x32xf32, #tpu.memory_space<vmem>>) offsets(%dma_start3A_260 : memref<200xi32, #tpu.memory_space<vmem>>) semaphore(%arg13 : memref<!tpu.dma_semaphore, #tpu.memory_space<semaphore_mem>>)
        %dma_start3A_264 = arith.constant 2 : i32
        %dma_start3A_265 = arith.constant 2 : i32
        %dma_start3A_266 = arith.constant 0 : i32
        %dma_start3A_267 = arith.constant 0 : i32
        %dma_start3A_268 = tpu.memref_slice %arg9[%dma_start3A_265, %dma_start3A_266, %dma_start3A_267] : memref<4x200x32xf32, #tpu.memory_space<vmem>> -> memref<1x200x32xf32, #tpu.memory_space<vmem>>
        %dma_start3A_269 = tpu.memref_squeeze %dma_start3A_268 : memref<1x200x32xf32, #tpu.memory_space<vmem>> -> memref<200x32xf32, #tpu.memory_space<vmem>>
        %dma_start3A_270 = arith.constant 0 : i32
        %dma_start3A_271 = tpu.memref_slice %arg7[%dma_start3A_264, %dma_start3A_270] : memref<4x200xi32, #tpu.memory_space<vmem>> -> memref<1x200xi32, #tpu.memory_space<vmem>>
        %dma_start3A_272 = tpu.memref_squeeze %dma_start3A_271 : memref<1x200xi32, #tpu.memory_space<vmem>> -> memref<200xi32, #tpu.memory_space<vmem>>
        %dma_start3A_273 = arith.constant 0 : i32
        %dma_start3A_274 = arith.constant 0 : i32
        %dma_start3A_275 = tpu.memref_slice %arg5[%dma_start3A_273, %dma_start3A_274] : memref<1000x32xf32, #tpu.memory_space<vmem_shared>> -> memref<1000x32xf32, #tpu.memory_space<vmem_shared>>
        tpu.enqueue_indirect_dma source(%dma_start3A_275 : memref<1000x32xf32, #tpu.memory_space<vmem_shared>>) target(%dma_start3A_269 : memref<200x32xf32, #tpu.memory_space<vmem>>) offsets(%dma_start3A_272 : memref<200xi32, #tpu.memory_space<vmem>>) semaphore(%arg13 : memref<!tpu.dma_semaphore, #tpu.memory_space<semaphore_mem>>)
        %dma_start3A_276 = arith.constant 3 : i32
        %dma_start3A_277 = arith.constant 3 : i32
        %dma_start3A_278 = arith.constant 0 : i32
        %dma_start3A_279 = arith.constant 0 : i32
        %dma_start3A_280 = tpu.memref_slice %arg9[%dma_start3A_277, %dma_start3A_278, %dma_start3A_279] : memref<4x200x32xf32, #tpu.memory_space<vmem>> -> memref<1x200x32xf32, #tpu.memory_space<vmem>>
        %dma_start3A_281 = tpu.memref_squeeze %dma_start3A_280 : memref<1x200x32xf32, #tpu.memory_space<vmem>> -> memref<200x32xf32, #tpu.memory_space<vmem>>
        %dma_start3A_282 = arith.constant 0 : i32
        %dma_start3A_283 = tpu.memref_slice %arg7[%dma_start3A_276, %dma_start3A_282] : memref<4x200xi32, #tpu.memory_space<vmem>> -> memref<1x200xi32, #tpu.memory_space<vmem>>
        %dma_start3A_284 = tpu.memref_squeeze %dma_start3A_283 : memref<1x200xi32, #tpu.memory_space<vmem>> -> memref<200xi32, #tpu.memory_space<vmem>>
        %dma_start3A_285 = arith.constant 0 : i32
        %dma_start3A_286 = arith.constant 0 : i32
        %dma_start3A_287 = tpu.memref_slice %arg5[%dma_start3A_285, %dma_start3A_286] : memref<1000x32xf32, #tpu.memory_space<vmem_shared>> -> memref<1000x32xf32, #tpu.memory_space<vmem_shared>>
        tpu.enqueue_indirect_dma source(%dma_start3A_287 : memref<1000x32xf32, #tpu.memory_space<vmem_shared>>) target(%dma_start3A_281 : memref<200x32xf32, #tpu.memory_space<vmem>>) offsets(%dma_start3A_284 : memref<200xi32, #tpu.memory_space<vmem>>) semaphore(%arg13 : memref<!tpu.dma_semaphore, #tpu.memory_space<semaphore_mem>>)
        %add3A_288 = arith.constant 2 : i32
        %add3A_289 = arith.addi %mul3A_94, %add3A_288 : i32
        %lt3A_290 = arith.constant 128 : i32
        %lt3A_291 = arith.cmpi slt, %add3A_289, %lt3A_290 : i32
        %convert_element_type3A_292 = arith.extui %lt3A_291 : i1 to i32
        %cond3A_293 = arith.constant 0 : i32
        %cond3A_294 = arith.cmpi ne, %convert_element_type3A_292, %cond3A_293 : i32
        scf.if %cond3A_294 {
          %add3A_295 = arith.constant 2 : i32
          %add3A_296 = arith.addi %mul3A_94, %add3A_295 : i32
          %mul3A_297 = arith.constant 4 : i32
          %mul3A_298 = arith.muli %add3A_296, %mul3A_297 : i32
          %add3A_299 = arith.addi %mul3A_2, %mul3A_298 : i32
          %dma_start3A_300 = arith.constant 0 : i32
          %dma_start3A_301 = tpu.memref_slice %arg2[%add3A_299, %dma_start3A_300] : memref<16384x200xi32, #tpu.memory_space<hbm>> -> memref<4x200xi32, #tpu.memory_space<hbm>>
          %dma_start3A_302 = arith.constant 0 : i32
          %dma_start3A_303 = tpu.memref_slice %arg2[%add3A_299, %dma_start3A_302] : memref<16384x200xi32, #tpu.memory_space<hbm>> -> memref<4x200xi32, #tpu.memory_space<hbm>>
          tpu.enqueue_dma source(%dma_start3A_303 : memref<4x200xi32, #tpu.memory_space<hbm>>) target(%arg6 : memref<4x200xi32, #tpu.memory_space<vmem>>) target_semaphore(%arg10 : memref<!tpu.dma_semaphore, #tpu.memory_space<semaphore_mem>>)
        } else {
        }
      } else {
      }
      %mul3A_158 = arith.constant 2 : i32
      %mul3A_159 = arith.muli %mul3A_158, %scan3A_91 : i32
      %add3A_160 = arith.constant 1 : i32
      %add3A_161 = arith.addi %mul3A_159, %add3A_160 : i32
      %dma_wait3A_162 = arith.constant 0 : i32
      %dma_wait3A_163 = arith.constant 0 : i32
      %dma_wait3A_164 = arith.constant 0 : i32
      %dma_wait3A_165 = arith.constant 0 : i32
      %dma_wait3A_166 = tpu.memref_slice %arg9[%dma_wait3A_163, %dma_wait3A_164, %dma_wait3A_165] : memref<4x200x32xf32, #tpu.memory_space<vmem>> -> memref<1x200x32xf32, #tpu.memory_space<vmem>>
      %dma_wait3A_167 = tpu.memref_squeeze %dma_wait3A_166 : memref<1x200x32xf32, #tpu.memory_space<vmem>> -> memref<200x32xf32, #tpu.memory_space<vmem>>
      %dma_wait3A_168 = arith.constant 0 : i32
      %dma_wait3A_169 = tpu.memref_slice %arg7[%dma_wait3A_162, %dma_wait3A_168] : memref<4x200xi32, #tpu.memory_space<vmem>> -> memref<1x200xi32, #tpu.memory_space<vmem>>
      %dma_wait3A_170 = tpu.memref_squeeze %dma_wait3A_169 : memref<1x200xi32, #tpu.memory_space<vmem>> -> memref<200xi32, #tpu.memory_space<vmem>>
      %dma_wait3A_171 = arith.constant 0 : i32
      %dma_wait3A_172 = arith.constant 0 : i32
      %dma_wait3A_173 = tpu.memref_slice %arg5[%dma_wait3A_171, %dma_wait3A_172] : memref<1000x32xf32, #tpu.memory_space<vmem_shared>> -> memref<1000x32xf32, #tpu.memory_space<vmem_shared>>
      tpu.wait_indirect_dma semaphore(%arg13 : memref<!tpu.dma_semaphore, #tpu.memory_space<semaphore_mem>>) src(%dma_wait3A_173 : memref<1000x32xf32, #tpu.memory_space<vmem_shared>>) dst(%dma_wait3A_167 : memref<200x32xf32, #tpu.memory_space<vmem>>)
      %dma_wait3A_174 = arith.constant 1 : i32
      %dma_wait3A_175 = arith.constant 1 : i32
      %dma_wait3A_176 = arith.constant 0 : i32
      %dma_wait3A_177 = arith.constant 0 : i32
      %dma_wait3A_178 = tpu.memref_slice %arg9[%dma_wait3A_175, %dma_wait3A_176, %dma_wait3A_177] : memref<4x200x32xf32, #tpu.memory_space<vmem>> -> memref<1x200x32xf32, #tpu.memory_space<vmem>>
      %dma_wait3A_179 = tpu.memref_squeeze %dma_wait3A_178 : memref<1x200x32xf32, #tpu.memory_space<vmem>> -> memref<200x32xf32, #tpu.memory_space<vmem>>
      %dma_wait3A_180 = arith.constant 0 : i32
      %dma_wait3A_181 = tpu.memref_slice %arg7[%dma_wait3A_174, %dma_wait3A_180] : memref<4x200xi32, #tpu.memory_space<vmem>> -> memref<1x200xi32, #tpu.memory_space<vmem>>
      %dma_wait3A_182 = tpu.memref_squeeze %dma_wait3A_181 : memref<1x200xi32, #tpu.memory_space<vmem>> -> memref<200xi32, #tpu.memory_space<vmem>>
      %dma_wait3A_183 = arith.constant 0 : i32
      %dma_wait3A_184 = arith.constant 0 : i32
      %dma_wait3A_185 = tpu.memref_slice %arg5[%dma_wait3A_183, %dma_wait3A_184] : memref<1000x32xf32, #tpu.memory_space<vmem_shared>> -> memref<1000x32xf32, #tpu.memory_space<vmem_shared>>
      tpu.wait_indirect_dma semaphore(%arg13 : memref<!tpu.dma_semaphore, #tpu.memory_space<semaphore_mem>>) src(%dma_wait3A_185 : memref<1000x32xf32, #tpu.memory_space<vmem_shared>>) dst(%dma_wait3A_179 : memref<200x32xf32, #tpu.memory_space<vmem>>)
      %dma_wait3A_186 = arith.constant 2 : i32
      %dma_wait3A_187 = arith.constant 2 : i32
      %dma_wait3A_188 = arith.constant 0 : i32
      %dma_wait3A_189 = arith.constant 0 : i32
      %dma_wait3A_190 = tpu.memref_slice %arg9[%dma_wait3A_187, %dma_wait3A_188, %dma_wait3A_189] : memref<4x200x32xf32, #tpu.memory_space<vmem>> -> memref<1x200x32xf32, #tpu.memory_space<vmem>>
      %dma_wait3A_191 = tpu.memref_squeeze %dma_wait3A_190 : memref<1x200x32xf32, #tpu.memory_space<vmem>> -> memref<200x32xf32, #tpu.memory_space<vmem>>
      %dma_wait3A_192 = arith.constant 0 : i32
      %dma_wait3A_193 = tpu.memref_slice %arg7[%dma_wait3A_186, %dma_wait3A_192] : memref<4x200xi32, #tpu.memory_space<vmem>> -> memref<1x200xi32, #tpu.memory_space<vmem>>
      %dma_wait3A_194 = tpu.memref_squeeze %dma_wait3A_193 : memref<1x200xi32, #tpu.memory_space<vmem>> -> memref<200xi32, #tpu.memory_space<vmem>>
      %dma_wait3A_195 = arith.constant 0 : i32
      %dma_wait3A_196 = arith.constant 0 : i32
      %dma_wait3A_197 = tpu.memref_slice %arg5[%dma_wait3A_195, %dma_wait3A_196] : memref<1000x32xf32, #tpu.memory_space<vmem_shared>> -> memref<1000x32xf32, #tpu.memory_space<vmem_shared>>
      tpu.wait_indirect_dma semaphore(%arg13 : memref<!tpu.dma_semaphore, #tpu.memory_space<semaphore_mem>>) src(%dma_wait3A_197 : memref<1000x32xf32, #tpu.memory_space<vmem_shared>>) dst(%dma_wait3A_191 : memref<200x32xf32, #tpu.memory_space<vmem>>)
      %dma_wait3A_198 = arith.constant 3 : i32
      %dma_wait3A_199 = arith.constant 3 : i32
      %dma_wait3A_200 = arith.constant 0 : i32
      %dma_wait3A_201 = arith.constant 0 : i32
      %dma_wait3A_202 = tpu.memref_slice %arg9[%dma_wait3A_199, %dma_wait3A_200, %dma_wait3A_201] : memref<4x200x32xf32, #tpu.memory_space<vmem>> -> memref<1x200x32xf32, #tpu.memory_space<vmem>>
      %dma_wait3A_203 = tpu.memref_squeeze %dma_wait3A_202 : memref<1x200x32xf32, #tpu.memory_space<vmem>> -> memref<200x32xf32, #tpu.memory_space<vmem>>
      %dma_wait3A_204 = arith.constant 0 : i32
      %dma_wait3A_205 = tpu.memref_slice %arg7[%dma_wait3A_198, %dma_wait3A_204] : memref<4x200xi32, #tpu.memory_space<vmem>> -> memref<1x200xi32, #tpu.memory_space<vmem>>
      %dma_wait3A_206 = tpu.memref_squeeze %dma_wait3A_205 : memref<1x200xi32, #tpu.memory_space<vmem>> -> memref<200xi32, #tpu.memory_space<vmem>>
      %dma_wait3A_207 = arith.constant 0 : i32
      %dma_wait3A_208 = arith.constant 0 : i32
      %dma_wait3A_209 = tpu.memref_slice %arg5[%dma_wait3A_207, %dma_wait3A_208] : memref<1000x32xf32, #tpu.memory_space<vmem_shared>> -> memref<1000x32xf32, #tpu.memory_space<vmem_shared>>
      tpu.wait_indirect_dma semaphore(%arg13 : memref<!tpu.dma_semaphore, #tpu.memory_space<semaphore_mem>>) src(%dma_wait3A_209 : memref<1000x32xf32, #tpu.memory_space<vmem_shared>>) dst(%dma_wait3A_203 : memref<200x32xf32, #tpu.memory_space<vmem>>)
      %mul3A_210 = arith.constant 4 : i32
      %mul3A_211 = arith.muli %add3A_161, %mul3A_210 : i32
      %add3A_212 = arith.addi %mul3A_2, %mul3A_211 : i32
      %dma_start3A_213 = arith.constant 0 : i32
      %dma_start3A_214 = arith.constant 0 : i32
      %dma_start3A_215 = tpu.memref_slice %arg4[%add3A_212, %dma_start3A_213, %dma_start3A_214] : memref<16384x200x32xf32, #tpu.memory_space<hbm>> -> memref<4x200x32xf32, #tpu.memory_space<hbm>>
      %dma_start3A_216 = arith.constant 0 : i32
      %dma_start3A_217 = arith.constant 0 : i32
      %dma_start3A_218 = tpu.memref_slice %arg4[%add3A_212, %dma_start3A_216, %dma_start3A_217] : memref<16384x200x32xf32, #tpu.memory_space<hbm>> -> memref<4x200x32xf32, #tpu.memory_space<hbm>>
      tpu.enqueue_dma source(%arg9 : memref<4x200x32xf32, #tpu.memory_space<vmem>>) target(%dma_start3A_218 : memref<4x200x32xf32, #tpu.memory_space<hbm>>) target_semaphore(%arg15 : memref<!tpu.dma_semaphore, #tpu.memory_space<semaphore_mem>>)
      %add3A_219 = arith.constant 1 : i32
      %add3A_220 = arith.addi %add3A_161, %add3A_219 : i32
      %lt3A_221 = arith.constant 128 : i32
      %lt3A_222 = arith.cmpi slt, %add3A_220, %lt3A_221 : i32
      %convert_element_type3A_223 = arith.extui %lt3A_222 : i1 to i32
      %cond3A_224 = arith.constant 0 : i32
      %cond3A_225 = arith.cmpi ne, %convert_element_type3A_223, %cond3A_224 : i32
      scf.if %cond3A_225 {
        %add3A_227 = arith.constant 1 : i32
        %add3A_228 = arith.addi %add3A_161, %add3A_227 : i32
        %mul3A_229 = arith.constant 4 : i32
        %mul3A_230 = arith.muli %add3A_228, %mul3A_229 : i32
        %add3A_231 = arith.addi %mul3A_2, %mul3A_230 : i32
        %dma_wait3A_232 = arith.constant 0 : i32
        %dma_wait3A_233 = tpu.memref_slice %arg2[%add3A_231, %dma_wait3A_232] : memref<16384x200xi32, #tpu.memory_space<hbm>> -> memref<4x200xi32, #tpu.memory_space<hbm>>
        %dma_wait3A_234 = arith.constant 0 : i32
        %dma_wait3A_235 = tpu.memref_slice %arg2[%add3A_231, %dma_wait3A_234] : memref<16384x200xi32, #tpu.memory_space<hbm>> -> memref<4x200xi32, #tpu.memory_space<hbm>>
        tpu.wait_dma2 semaphore(%arg10 : memref<!tpu.dma_semaphore, #tpu.memory_space<semaphore_mem>>) src(%dma_wait3A_235 : memref<4x200xi32, #tpu.memory_space<hbm>>) dst(%arg6 : memref<4x200xi32, #tpu.memory_space<vmem>>)
        %ge3A = arith.constant 1 : i32
        %ge3A_236 = arith.cmpi sge, %add3A_161, %ge3A : i32
        %convert_element_type3A_237 = arith.extui %ge3A_236 : i1 to i32
        %cond3A_238 = arith.constant 0 : i32
        %cond3A_239 = arith.cmpi ne, %convert_element_type3A_237, %cond3A_238 : i32
        scf.if %cond3A_239 {
          %sub3A = arith.constant 1 : i32
          %sub3A_295 = arith.subi %add3A_161, %sub3A : i32
          %mul3A_296 = arith.constant 4 : i32
          %mul3A_297 = arith.muli %sub3A_295, %mul3A_296 : i32
          %add3A_298 = arith.addi %mul3A_2, %mul3A_297 : i32
          %dma_wait3A_299 = arith.constant 0 : i32
          %dma_wait3A_300 = arith.constant 0 : i32
          %dma_wait3A_301 = tpu.memref_slice %arg4[%add3A_298, %dma_wait3A_299, %dma_wait3A_300] : memref<16384x200x32xf32, #tpu.memory_space<hbm>> -> memref<4x200x32xf32, #tpu.memory_space<hbm>>
          %dma_wait3A_302 = arith.constant 0 : i32
          %dma_wait3A_303 = arith.constant 0 : i32
          %dma_wait3A_304 = tpu.memref_slice %arg4[%add3A_298, %dma_wait3A_302, %dma_wait3A_303] : memref<16384x200x32xf32, #tpu.memory_space<hbm>> -> memref<4x200x32xf32, #tpu.memory_space<hbm>>
          tpu.wait_dma2 semaphore(%arg14 : memref<!tpu.dma_semaphore, #tpu.memory_space<semaphore_mem>>) src(%arg8 : memref<4x200x32xf32, #tpu.memory_space<vmem>>) dst(%dma_wait3A_304 : memref<4x200x32xf32, #tpu.memory_space<hbm>>)
        } else {
        }
        %dma_start3A_240 = arith.constant 0 : i32
        %dma_start3A_241 = arith.constant 0 : i32
        %dma_start3A_242 = arith.constant 0 : i32
        %dma_start3A_243 = arith.constant 0 : i32
        %dma_start3A_244 = tpu.memref_slice %arg8[%dma_start3A_241, %dma_start3A_242, %dma_start3A_243] : memref<4x200x32xf32, #tpu.memory_space<vmem>> -> memref<1x200x32xf32, #tpu.memory_space<vmem>>
        %dma_start3A_245 = tpu.memref_squeeze %dma_start3A_244 : memref<1x200x32xf32, #tpu.memory_space<vmem>> -> memref<200x32xf32, #tpu.memory_space<vmem>>
        %dma_start3A_246 = arith.constant 0 : i32
        %dma_start3A_247 = tpu.memref_slice %arg6[%dma_start3A_240, %dma_start3A_246] : memref<4x200xi32, #tpu.memory_space<vmem>> -> memref<1x200xi32, #tpu.memory_space<vmem>>
        %dma_start3A_248 = tpu.memref_squeeze %dma_start3A_247 : memref<1x200xi32, #tpu.memory_space<vmem>> -> memref<200xi32, #tpu.memory_space<vmem>>
        %dma_start3A_249 = arith.constant 0 : i32
        %dma_start3A_250 = arith.constant 0 : i32
        %dma_start3A_251 = tpu.memref_slice %arg5[%dma_start3A_249, %dma_start3A_250] : memref<1000x32xf32, #tpu.memory_space<vmem_shared>> -> memref<1000x32xf32, #tpu.memory_space<vmem_shared>>
        tpu.enqueue_indirect_dma source(%dma_start3A_251 : memref<1000x32xf32, #tpu.memory_space<vmem_shared>>) target(%dma_start3A_245 : memref<200x32xf32, #tpu.memory_space<vmem>>) offsets(%dma_start3A_248 : memref<200xi32, #tpu.memory_space<vmem>>) semaphore(%arg12 : memref<!tpu.dma_semaphore, #tpu.memory_space<semaphore_mem>>)
        %dma_start3A_252 = arith.constant 1 : i32
        %dma_start3A_253 = arith.constant 1 : i32
        %dma_start3A_254 = arith.constant 0 : i32
        %dma_start3A_255 = arith.constant 0 : i32
        %dma_start3A_256 = tpu.memref_slice %arg8[%dma_start3A_253, %dma_start3A_254, %dma_start3A_255] : memref<4x200x32xf32, #tpu.memory_space<vmem>> -> memref<1x200x32xf32, #tpu.memory_space<vmem>>
        %dma_start3A_257 = tpu.memref_squeeze %dma_start3A_256 : memref<1x200x32xf32, #tpu.memory_space<vmem>> -> memref<200x32xf32, #tpu.memory_space<vmem>>
        %dma_start3A_258 = arith.constant 0 : i32
        %dma_start3A_259 = tpu.memref_slice %arg6[%dma_start3A_252, %dma_start3A_258] : memref<4x200xi32, #tpu.memory_space<vmem>> -> memref<1x200xi32, #tpu.memory_space<vmem>>
        %dma_start3A_260 = tpu.memref_squeeze %dma_start3A_259 : memref<1x200xi32, #tpu.memory_space<vmem>> -> memref<200xi32, #tpu.memory_space<vmem>>
        %dma_start3A_261 = arith.constant 0 : i32
        %dma_start3A_262 = arith.constant 0 : i32
        %dma_start3A_263 = tpu.memref_slice %arg5[%dma_start3A_261, %dma_start3A_262] : memref<1000x32xf32, #tpu.memory_space<vmem_shared>> -> memref<1000x32xf32, #tpu.memory_space<vmem_shared>>
        tpu.enqueue_indirect_dma source(%dma_start3A_263 : memref<1000x32xf32, #tpu.memory_space<vmem_shared>>) target(%dma_start3A_257 : memref<200x32xf32, #tpu.memory_space<vmem>>) offsets(%dma_start3A_260 : memref<200xi32, #tpu.memory_space<vmem>>) semaphore(%arg12 : memref<!tpu.dma_semaphore, #tpu.memory_space<semaphore_mem>>)
        %dma_start3A_264 = arith.constant 2 : i32
        %dma_start3A_265 = arith.constant 2 : i32
        %dma_start3A_266 = arith.constant 0 : i32
        %dma_start3A_267 = arith.constant 0 : i32
        %dma_start3A_268 = tpu.memref_slice %arg8[%dma_start3A_265, %dma_start3A_266, %dma_start3A_267] : memref<4x200x32xf32, #tpu.memory_space<vmem>> -> memref<1x200x32xf32, #tpu.memory_space<vmem>>
        %dma_start3A_269 = tpu.memref_squeeze %dma_start3A_268 : memref<1x200x32xf32, #tpu.memory_space<vmem>> -> memref<200x32xf32, #tpu.memory_space<vmem>>
        %dma_start3A_270 = arith.constant 0 : i32
        %dma_start3A_271 = tpu.memref_slice %arg6[%dma_start3A_264, %dma_start3A_270] : memref<4x200xi32, #tpu.memory_space<vmem>> -> memref<1x200xi32, #tpu.memory_space<vmem>>
        %dma_start3A_272 = tpu.memref_squeeze %dma_start3A_271 : memref<1x200xi32, #tpu.memory_space<vmem>> -> memref<200xi32, #tpu.memory_space<vmem>>
        %dma_start3A_273 = arith.constant 0 : i32
        %dma_start3A_274 = arith.constant 0 : i32
        %dma_start3A_275 = tpu.memref_slice %arg5[%dma_start3A_273, %dma_start3A_274] : memref<1000x32xf32, #tpu.memory_space<vmem_shared>> -> memref<1000x32xf32, #tpu.memory_space<vmem_shared>>
        tpu.enqueue_indirect_dma source(%dma_start3A_275 : memref<1000x32xf32, #tpu.memory_space<vmem_shared>>) target(%dma_start3A_269 : memref<200x32xf32, #tpu.memory_space<vmem>>) offsets(%dma_start3A_272 : memref<200xi32, #tpu.memory_space<vmem>>) semaphore(%arg12 : memref<!tpu.dma_semaphore, #tpu.memory_space<semaphore_mem>>)
        %dma_start3A_276 = arith.constant 3 : i32
        %dma_start3A_277 = arith.constant 3 : i32
        %dma_start3A_278 = arith.constant 0 : i32
        %dma_start3A_279 = arith.constant 0 : i32
        %dma_start3A_280 = tpu.memref_slice %arg8[%dma_start3A_277, %dma_start3A_278, %dma_start3A_279] : memref<4x200x32xf32, #tpu.memory_space<vmem>> -> memref<1x200x32xf32, #tpu.memory_space<vmem>>
        %dma_start3A_281 = tpu.memref_squeeze %dma_start3A_280 : memref<1x200x32xf32, #tpu.memory_space<vmem>> -> memref<200x32xf32, #tpu.memory_space<vmem>>
        %dma_start3A_282 = arith.constant 0 : i32
        %dma_start3A_283 = tpu.memref_slice %arg6[%dma_start3A_276, %dma_start3A_282] : memref<4x200xi32, #tpu.memory_space<vmem>> -> memref<1x200xi32, #tpu.memory_space<vmem>>
        %dma_start3A_284 = tpu.memref_squeeze %dma_start3A_283 : memref<1x200xi32, #tpu.memory_space<vmem>> -> memref<200xi32, #tpu.memory_space<vmem>>
        %dma_start3A_285 = arith.constant 0 : i32
        %dma_start3A_286 = arith.constant 0 : i32
        %dma_start3A_287 = tpu.memref_slice %arg5[%dma_start3A_285, %dma_start3A_286] : memref<1000x32xf32, #tpu.memory_space<vmem_shared>> -> memref<1000x32xf32, #tpu.memory_space<vmem_shared>>
        tpu.enqueue_indirect_dma source(%dma_start3A_287 : memref<1000x32xf32, #tpu.memory_space<vmem_shared>>) target(%dma_start3A_281 : memref<200x32xf32, #tpu.memory_space<vmem>>) offsets(%dma_start3A_284 : memref<200xi32, #tpu.memory_space<vmem>>) semaphore(%arg12 : memref<!tpu.dma_semaphore, #tpu.memory_space<semaphore_mem>>)
        %add3A_288 = arith.constant 2 : i32
        %add3A_289 = arith.addi %add3A_161, %add3A_288 : i32
        %lt3A_290 = arith.constant 128 : i32
        %lt3A_291 = arith.cmpi slt, %add3A_289, %lt3A_290 : i32
        %convert_element_type3A_292 = arith.extui %lt3A_291 : i1 to i32
        %cond3A_293 = arith.constant 0 : i32
        %cond3A_294 = arith.cmpi ne, %convert_element_type3A_292, %cond3A_293 : i32
        scf.if %cond3A_294 {
          %add3A_295 = arith.constant 2 : i32
          %add3A_296 = arith.addi %add3A_161, %add3A_295 : i32
          %mul3A_297 = arith.constant 4 : i32
          %mul3A_298 = arith.muli %add3A_296, %mul3A_297 : i32
          %add3A_299 = arith.addi %mul3A_2, %mul3A_298 : i32
          %dma_start3A_300 = arith.constant 0 : i32
          %dma_start3A_301 = tpu.memref_slice %arg2[%add3A_299, %dma_start3A_300] : memref<16384x200xi32, #tpu.memory_space<hbm>> -> memref<4x200xi32, #tpu.memory_space<hbm>>
          %dma_start3A_302 = arith.constant 0 : i32
          %dma_start3A_303 = tpu.memref_slice %arg2[%add3A_299, %dma_start3A_302] : memref<16384x200xi32, #tpu.memory_space<hbm>> -> memref<4x200xi32, #tpu.memory_space<hbm>>
          tpu.enqueue_dma source(%dma_start3A_303 : memref<4x200xi32, #tpu.memory_space<hbm>>) target(%arg7 : memref<4x200xi32, #tpu.memory_space<vmem>>) target_semaphore(%arg11 : memref<!tpu.dma_semaphore, #tpu.memory_space<semaphore_mem>>)
        } else {
        }
      } else {
      }
      %scan3A_226 = arith.constant 0 : i32
      scf.yield %scan3A_226 : i32
    }
    %scan3A_74 = arith.constant 64 : i32
    %add3A_75 = arith.constant 504 : i32
    %add3A_76 = arith.addi %mul3A_2, %add3A_75 : i32
    %dma_wait3A_77 = arith.constant 0 : i32
    %dma_wait3A_78 = arith.constant 0 : i32
    %dma_wait3A_79 = tpu.memref_slice %arg4[%add3A_76, %dma_wait3A_77, %dma_wait3A_78] : memref<16384x200x32xf32, #tpu.memory_space<hbm>> -> memref<4x200x32xf32, #tpu.memory_space<hbm>>
    %dma_wait3A_80 = arith.constant 0 : i32
    %dma_wait3A_81 = arith.constant 0 : i32
    %dma_wait3A_82 = tpu.memref_slice %arg4[%add3A_76, %dma_wait3A_80, %dma_wait3A_81] : memref<16384x200x32xf32, #tpu.memory_space<hbm>> -> memref<4x200x32xf32, #tpu.memory_space<hbm>>
    tpu.wait_dma2 semaphore(%arg14 : memref<!tpu.dma_semaphore, #tpu.memory_space<semaphore_mem>>) src(%arg8 : memref<4x200x32xf32, #tpu.memory_space<vmem>>) dst(%dma_wait3A_82 : memref<4x200x32xf32, #tpu.memory_space<hbm>>)
    %add3A_83 = arith.constant 508 : i32
    %add3A_84 = arith.addi %mul3A_2, %add3A_83 : i32
    %dma_wait3A_85 = arith.constant 0 : i32
    %dma_wait3A_86 = arith.constant 0 : i32
    %dma_wait3A_87 = tpu.memref_slice %arg4[%add3A_84, %dma_wait3A_85, %dma_wait3A_86] : memref<16384x200x32xf32, #tpu.memory_space<hbm>> -> memref<4x200x32xf32, #tpu.memory_space<hbm>>
    %dma_wait3A_88 = arith.constant 0 : i32
    %dma_wait3A_89 = arith.constant 0 : i32
    %dma_wait3A_90 = tpu.memref_slice %arg4[%add3A_84, %dma_wait3A_88, %dma_wait3A_89] : memref<16384x200x32xf32, #tpu.memory_space<hbm>> -> memref<4x200x32xf32, #tpu.memory_space<hbm>>
    tpu.wait_dma2 semaphore(%arg15 : memref<!tpu.dma_semaphore, #tpu.memory_space<semaphore_mem>>) src(%arg9 : memref<4x200x32xf32, #tpu.memory_space<vmem>>) dst(%dma_wait3A_90 : memref<4x200x32xf32, #tpu.memory_space<hbm>>)
    return
  }
}

</mosaic_0001>

<sc_bundles>
// kernel: kernel.3.cloned.1.call-start
scs
__scs_entry_jumppad:
0x0: {  	(pc) =	sbr.rel $0x88, $3  }
0x1: {  	(tag) =	ssettag $0x0;
	lr =	simm.s32 $0x1  }
0x2: {  	[smem:$0x3F9F] =	sst lr;
	_ =	strace $0xD0000000  }
0x3: {  	_ = 	snop  }
0x4: {  	_ = 	snop  }
0x5: {  	_ = 	snop  }
0x6: {  	_ = 	snop  }
0x7: {  	_ = 	snop  }
__scs_overlays_trampoline_lowered:
0x8: {  	[smem:$0x3FAE] =	sst s0  }
0x9: {  	[smem:$0x3FAF] =	sst s1  }
0xa: {  	[smem:$0x3FB0] =	sst s2  }
0xb: {  	[smem:$0x3FB1] =	sst s3  }
0xc: {  	[smem:$0x3FB2] =	sst s4  }
0xd: {  	[smem:$0x3FB3] =	sst s5  }
0xe: {  	[smem:$0x3FB4] =	sst s6  }
0xf: {  	[smem:$0x3FB5] =	sst s7  }
0x10: {  	[smem:$0x3FB6] =	sst s8  }
0x11: {  	[smem:$0x3FB7] =	sst s9;
	s0 =	simm.s32 @!p0 $0x0  }
0x12: {  	s1 =	sld [smem:$0x3F9D];
	s0 =	simm.s32 @p0 $0x1  }
0x13: {  	[smem:$0x3FB8] =	sst s0;
	s0 =	simm.s32 @!p1 $0x0  }
0x14: {  	s2 =	sld [smem:$0x3F9C];
	s0 =	simm.s32 @p1 $0x1  }
0x15: {  	[smem:$0x3FB9] =	sst s0;
	s0 =	simm.s32 @!p2 $0x0  }
0x16: {  	s3 =	sld [smem:$0x3FDB];
	s0 =	simm.s32 @p2 $0x1  }
0x17: {  	s4 =	simm.s32 $0x1BF5;
	[smem:$0x3FBB] =	sst s0  }
0x18: {  	s0 =	sld [smem:$0x3F9E];
	_ =	swait.ge [sflag:s4], $0x0  }
0x19: {  	s7 =	sld [smem:$0x3F9F]  }
0x1a: {  	s8 =	sadd.s32 $0xFFFFE003, lr  }
0x1b: {  	s9 =	sadd.s32 $0xFFFFFEF7, lr;
	s5 =	simm.s32 $0xFFFFFFFF;
	p2 =	slt.u32 s8, $0xFFFFF086  }
0x1c: {  	p1 =	slt.u32 s9, $0xF7A;
	s5 =	simm.s32 @!p2 $0x0  }
0x1d: {  	s5 =	simm.s32 @p1 $0x1;
	p0 =	seq.s32 s7, s2  }
0x1e: {  	s7 =	smul.u32 @!p0 $0xF7A, s2;
	p2 =	seq.s32 @!p0 s5, $0x0  }
0x1f: {  	s9 =	smul.u32 $0xF7A, s1;
	s8 =	simm.s32 @!p0 $0x1BF5;
	p2 =	por !p2, p0  }
0x20: {  	[sflag:s8] =	ssyncset.s32 @!p0 $0xFFFFF086;
	s6 =	sadd.s32 @!p0 s3, s7;
	s7 =	simm.s32 @!p0 $0x108  }
0x21: {  	s3 =	sadd.s32 s3, s9;
	s6 =	sadd.s32 @!p0 $0x88, s6;
	s7 =	simm.s32 @p2 $0x1082  }
0x22: {  	[simem:s7], [sflag:s8] =	dma.local @!p0 [hbm:s6], $0xF7A  }
0x23: {  	s9 =	sor.u32 $0xD0000000, s2;
	s6 =	simm.s32 $0x108;
	_ =	swait.ge @!p0 [sflag:s8], $0x0  }
0x24: {  	s3 =	sadd.s32 $0x88, s3;
	s6 =	simm.s32 @!p1 $0x1082;
	[sflag:s4] =	ssyncset.s32 $0xFFFFF086  }
0x25: {  	[simem:s6], [sflag:s4] =	dma.local [hbm:s3], $0xF7A  }
0x26: {  	[smem:$0x3F9F] =	sst s1;
	(tag) =	ssettag s2;
	_ =	strace s9  }
0x27: {  	s1 =	sld [smem:$0x3FAF]  }
0x28: {  	s2 =	sld [smem:$0x3FB0]  }
0x29: {  	s4 =	sld [smem:$0x3FB2]  }
0x2a: {  	p0 =	seq.s32 s5, $0x0;
	s5 =	sld [smem:$0x3FB3]  }
0x2b: {  	s6 =	sld [smem:$0x3FB4]  }
0x2c: {  	s7 =	sld [smem:$0x3FB5]  }
0x2d: {  	s3 =	simm.s32 $0x108;
	s8 =	sld [smem:$0x3FB6]  }
0x2e: {  	s3 =	simm.s32 @!p0 $0x1082;
	s9 =	sld [smem:$0x3FB7]  }
0x2f: {  	lr =	sadd.s32 s0, s3;
	s0 =	sld [smem:$0x3FAE]  }
0x30: {  	s3 =	sld [smem:$0x3FB1]  }
0x31: {  	[smem:$0x3FBA] =	sst s10  }
0x32: {  	s10 =	sld [smem:$0x3FB8];
	_ =	sdelay $0x3  }
0x33: {  	p0 =	seq.s32 s10, $0x1;
	s10 =	sld [smem:$0x3FBA];
	_ =	sdelay $0x3  }
0x34: {  	[smem:$0x3FBA] =	sst s10  }
0x35: {  	s10 =	sld [smem:$0x3FB9];
	_ =	sdelay $0x3  }
0x36: {  	p1 =	seq.s32 s10, $0x1;
	s10 =	sld [smem:$0x3FBA];
	_ =	sdelay $0x3  }
0x37: {  	[smem:$0x3FBA] =	sst s10  }
0x38: {  	s10 =	sld [smem:$0x3FBB]  }
0x39: {  	_ = 	snop;
	(pc) =	sbr.ind lr, $3  }
0x3a: {  	_ = 	snop  }
0x3b: {  	_ = 	snop  }
0x3c: {  	p2 =	seq.s32 s10, $0x1;
	s10 =	sld [smem:$0x3FBA]  }
0x3d: {  	_ =	shalt  }
0x3e: {  	_ =	shalt  }
0x3f: {  	_ =	shalt  }
0x40: {  	_ =	shalt  }
0x41: {  	_ =	shalt  }
0x42: {  	_ =	shalt  }
0x43: {  	_ =	shalt  }
0x44: {  	_ =	shalt  }
0x45: {  	_ =	shalt  }
0x46: {  	_ =	shalt  }
0x47: {  	_ =	shalt  }
0x48: {  	_ =	shalt  }
0x49: {  	_ =	shalt  }
0x4a: {  	_ =	shalt  }
0x4b: {  	_ =	shalt  }
0x4c: {  	_ =	shalt  }
0x4d: {  	_ =	shalt  }
0x4e: {  	_ =	shalt  }
0x4f: {  	_ =	shalt  }
0x50: {  	_ =	shalt  }
0x51: {  	_ =	shalt  }
0x52: {  	_ =	shalt  }
0x53: {  	_ =	shalt  }
0x54: {  	_ =	shalt  }
0x55: {  	_ =	shalt  }
0x56: {  	_ =	shalt  }
0x57: {  	_ =	shalt  }
0x58: {  	_ =	shalt  }
0x59: {  	_ =	shalt  }
0x5a: {  	_ =	shalt  }
0x5b: {  	_ =	shalt  }
0x5c: {  	_ =	shalt  }
0x5d: {  	_ =	shalt  }
0x5e: {  	_ =	shalt  }
0x5f: {  	_ =	shalt  }
0x60: {  	_ =	shalt  }
0x61: {  	_ =	shalt  }
0x62: {  	_ =	shalt  }
0x63: {  	_ =	shalt  }
0x64: {  	_ =	shalt  }
0x65: {  	_ =	shalt  }
0x66: {  	_ =	shalt  }
0x67: {  	_ =	shalt  }
0x68: {  	_ =	shalt  }
0x69: {  	_ =	shalt  }
0x6a: {  	_ =	shalt  }
0x6b: {  	_ =	shalt  }
0x6c: {  	_ =	shalt  }
0x6d: {  	_ =	shalt  }
0x6e: {  	_ =	shalt  }
0x6f: {  	_ =	shalt  }
0x70: {  	_ =	shalt  }
0x71: {  	_ =	shalt  }
0x72: {  	_ =	shalt  }
0x73: {  	_ =	shalt  }
0x74: {  	_ =	shalt  }
0x75: {  	_ =	shalt  }
0x76: {  	_ =	shalt  }
0x77: {  	_ =	shalt  }
0x78: {  	_ =	shalt  }
0x79: {  	_ =	shalt  }
0x7a: {  	_ =	shalt  }
0x7b: {  	_ =	shalt  }
0x7c: {  	_ =	shalt  }
0x7d: {  	_ =	shalt  }
0x7e: {  	_ =	shalt  }
0x7f: {  	_ =	shalt  }
0x80: {  	_ =	shalt  }
0x81: {  	_ =	shalt  }
0x82: {  	_ =	shalt  }
0x83: {  	_ =	shalt  }
0x84: {  	_ =	shalt  }
0x85: {  	_ =	shalt  }
0x86: {  	_ =	shalt  }
0x87: {  	_ =	shalt  }
.Lfunc_end0:
.L_simem_size_0:
called_computation.1_lowered:
.L_overlay_start_0:
0x88: {  	s2 =	sld [smem:$0x3FD9]  }
0x89: {  	s3 =	sld [smem:$0x3FFE];
	_ =	sdelay $0x1  }
0x8a: {  	s1 =	srdreg.scid  }
0x8b: {  	s0 =	sand.u32 $0x1, s1  }
0x8c: {  	s17 =	sshll.u32 s0, $0xA;
	s2 =	sadd.s32 s3, s2  }
0x8d: {  	s2 =	sadd.s32 s2, s17  }
0x8e: {  	[smem:$0x3FC6] =	sst s2  }
0x8f: {  	_ = 	snop  }
0x90: {  	s2 =	sld [smem:$0x3FD0];
	(tm) =	ssettm $0x1  }
0x91: {  	s18 =	sld [smem:$0x3FFB];
	_ =	sdelay $0x3  }
0x92: {  	_ =	strace s18  }
0x93: {  	s3 =	sld [smem:$0x3FFC];
	_ =	sdelay $0x3  }
0x94: {  	_ =	strace s3  }
0x95: {  	s3 =	sld [smem:$0x3FFD];
	_ =	sdelay $0x3  }
0x96: {  	_ =	strace s3  }
0x97: {  	_ =	strace $0x8FFFFFFF  }
0x98: {  	s19 =	sld [smem:$0x3FDB];
	_ =	sdelay $0x1  }
0x99: {  	s4 =	simm.s32 $_scs_section_size  }
0x9a: {  	s5 =	simm.s32 $_size__tile_overlayer_lowered;
	s6 =	simm.s32 $_tile_overlayer_lowered  }
0x9b: {  	s22 =	simm.s32 $0x1BFF;
	s21 =	sshll.u32 s6, $0x1;
	s3 =	sadd.s32 s4, s19  }
0x9c: {  	s7 =	simm.s32 $0x0;
	s20 =	sshll.u32 s5, $0x1;
	s5 =	sadd.s32 s21, s3  }
0x9d: {  	[timem:s7], [sflag:s22] =	dma.local [hbm:s5], s20  }
0x9e: {  	_ =	swait.ge [sflag:s22], s20  }
0x9f: {  	s4 =	ssub.s32 $0x0, s20;
	[sflag:s22] =	ssyncset.done $0x0  }
0xa0: {  	[sflag:s22] =	ssyncadd.s32 s4;
	_ =	sdelay $0x1  }
0xa1: {  	s23 =	simm.s32 $0x1B8B  }
0xa2: {  	_ =	swait.ge [sflag:s23], $0x1  }
0xa3: {  	[sflag:s23] =	ssyncset.done $0x0  }
0xa4: {  	s25 =	simm.s32 $0x1B8E;
	s24 =	sld [smem:$0x3FFE];
	[sflag:s23] =	ssyncadd.s32 $0xFFFFFFFF  }
0xa5: {  	s26 =	simm.s32 $execute0_lowered;
	[smem:$0x3FD2] =	sst s25  }
0xa6: {  	s5 =	sshll.u32 s26, $0x1;
	_ =	strace $0x80000046;
	[dreg:$0x1] =	wrdreg $0xFFFFFFFF  }
0xa7: {  	s28 =	simm.s32 $_size_execute0_lowered;
	s3 =	sadd.s32 s3, s5;
	[dreg:$0x0] =	wrdreg $0x0  }
0xa8: {  	s5 =	sshll.u32 s28, $0x1;
	[dreg:$0x2] =	wrdreg s3  }
0xa9: {  	[dreg:$0x3] =	wrdreg s5  }
0xaa: {  	[dreg:$0x4] =	wrdreg $0xC0  }
0xab: {  	_ =	task [dreg:s7], $0x5FFFF  }
0xac: {  	[dreg:$0x1] =	wrdreg $0xFFFFFFFF  }
0xad: {  	[dreg:$0x0] =	wrdreg $0x60  }
0xae: {  	[dreg:$0x2] =	wrdreg s24  }
0xaf: {  	[dreg:$0x3] =	wrdreg s2  }
0xb0: {  	[dreg:$0x4] =	wrdreg $0x0  }
0xb1: {  	[dreg:$0x5] =	wrdreg $0x9  }
0xb2: {  	_ =	task.clear_ibuf [dreg:s7], $0x6FFFF;
	_ =	strace $0x90000046  }
0xb3: {  	s29 =	simm.s32 $0x9;
	_ =	strace $0x80000048  }
0xb4: {  	_ =	swait.ge [sflag:s29], $0x1  }
0xb5: {  	[sflag:s29] =	ssyncadd.s32 $0xFFFFFFFF  }
0xb6: {  	_ =	strace $0x90000048  }
0xb7: {  	_ =	sfence  }
0xb8: {  	s30 =	sld [smem:$0x0];
	_ =	sdelay $0x2  }
0xb9: {  	s31 =	sshll.u32 s1, $0xD;
	s1 =	sshrl.u32 s1, $0x2  }
0xba: {  	s3 =	sand.u32 $0x4000, s31;
	s1 =	sadd.s32 s1, s30  }
0xbb: {  	s0 =	sor.u32 s3, s0;
	s1 =	sshll.u32 s1, $0x11  }
0xbc: {  	s0 =	sor.u32 s1, s0  }
0xbd: {  	s0 =	sadd.s32 $0x8F2B, s0  }
0xbe: {  	[sflag:s0] =	ssyncadd.remote.s32 $0x1  }
0xbf: {  	_ =	sfence.sel $0xFFFF  }
0xc0: {  	[dreg:$0x0] =	wrdreg $0xFFFFFFFF;
	(pc) =	sbr.abs _section_cstart, $3  }
0xc1: {  	[dreg:$0x1] =	wrdreg $0xFFFFFFFF  }
0xc2: {  	_ =	task.clear_ibuf [dreg:s7], $0x2FFFF;
	_ =	strace $0x9FFFFFFF  }
0xc3: {  	(tm) =	ssettm $0x7FFFFFFF  }
tec
execute0_lowered:
.L_overlay_start_1:
0x0: {  	(tag) =	ssettag $0x1  }
0x1: {  	s0 =	rddreg [dreg:$0x0]  }
0x2: {  	s3 =	rddreg [dreg:$0x1]  }
0x3: {  	s1 =	rddreg [dreg:$0x2];
	s2 =	srdreg.scid  }
0x4: {  	s4 =	stileid.u32;
	s11 =	simm.s32 $0xAF0;
	s12 =	simm.s32 $0x1  }
0x5: {  	s13 =	simm.s32 $0xC8;
	s14 =	simm.s32 $0xE10;
	s15 =	simm.s32 $0x898  }
0x6: {  	s16 =	simm.s32 $0x2710;
	s17 =	simm.s32 $0x960;
	s18 =	simm.s32 $0x4010  }
0x7: {  	s19 =	simm.s32 $0xA28;
	s20 =	simm.s32 $0x5910;
	s28 =	simm.s32 $0xA410  }
0x8: {  	s29 =	simm.s32 $0xD48;
	s30 =	simm.s32 $0xBD10;
	s31 =	simm.s32 $0x4  }
0x9: {  	s5 =	sand.u32 $0x1, s2;
	s2 =	simm.s32 $0x0;
	s6 =	sshll.u32 s4, $0xA  }
0xa: {  	s21 =	sadd.s32 $0x1800, s0;
	s9 =	smul.u32 $0x6400, s4;
	s0 =	sadd.s32 $0x800, s0  }
0xb: {  	s24 =	smul.u32 $0xC8000, s4;
	p0 =	sne.s32 s4, $0x0;
	s7 =	sshll.u32 s5, $0x9  }
0xc: {  	[smem:$0x7FF] =	sst s2;
	s8 =	ssub.s32 $0x2, s5;
	s10 =	smul.u32 $0x3200, s5  }
0xd: {  	s25 =	smul.u32 $0x64000, s5;
	s5 =	simm.s32 $0x0;
	s6 =	sor.u32 s7, s6  }
0xe: {  	_ =	strace $0x80000047;
	[dreg:$0x4] =	wrdreg s0;
	s22 =	sshrl.u32 s8, $0x1  }
0xf: {  	s26 =	sadd.s32 s9, s21;
	s3 =	sadd.s32 s24, s3;
	s24 =	simm.s32 $0xBB8  }
0x10: {  	s6 =	smul.u32 $0x19, s6;
	s0 =	ssub.s32 s8, s22;
	s7 =	sadd.s32 s10, s26  }
0x11: {  	s10 =	simm.s32 $0x7D0;
	s22 =	simm.s32 $0x2;
	s0 =	smax.u32 s0, $0x1  }
.Ltmp0:
0x12: {  	s23 =	sadd.s32 s21, s6;
	[dreg:$0x7] =	wrdreg s0;
	(pc) =	sbr.rel .LBB2_1-.Ltmp0, $4  }
0x13: {  	s26 =	simm.s32 $0xC80;
	s0 =	sadd.s32 s25, s3;
	[dreg:$0x5] =	wrdreg s23  }
0x14: {  	s21 =	simm.s32 $0x3;
	s8 =	sadd.s32 $0x64, s23;
	[dreg:$0x8] =	wrdreg s0  }
0x15: {  	s25 =	simm.s32 $0x8B10;
	s0 =	sshrl.u32 @!p0 s1, $0x3;
	[dreg:$0x6] =	wrdreg s8  }
0x16: {  	s23 =	simm.s32 $0x7210;
	[dreg:$0x9] =	wrdreg s0;
	s0 =	simm.s32 $0x5  }
.LBB2_4:
0x17: {  	_ =	swait.ge [sflag:s0], $0x6400  }
0x18: {  	[sflag:s0] =	ssyncset.done $0x0  }
0x19: {  	s4 =	simm.s32 $0x6;
	[sflag:s0] =	ssyncadd.s32 $0xFFFF9C00  }
0x1a: {  	_ =	swait.ge [sflag:s4], $0x6400  }
0x1b: {  	s5 =	sadd.s32 $0x1, s5;
	s3 =	rddreg [dreg:$0x7]  }
0x1c: {  	p1 =	sne.s32 s5, s3  }
.Ltmp1:
0x1d: {  	_ = 	snop;
	(pc) =	sbr.rel @!p1 .LBB2_5-.Ltmp1, $3  }
0x1e: {  	_ =	sdelay $0x1  }
0x1f: {  	[sflag:s4] =	ssyncset.done $0x0  }
0x20: {  	[sflag:s4] =	ssyncadd.s32 $0xFFFF9C00  }
.LBB2_1:
0x21: {  	s3 =	rddreg [dreg:$0x4]  }
0x22: {  	s4 =	simm.s32 @!p0 $0x1C07;
	s6 =	rddreg [dreg:$0x9]  }
0x23: {  	[spmem:s6], [sflag:s4] =	dma.local @!p0 [hbm:s3], $0xFA0  }
0x24: {  	s4 =	simm.s32 @!p0 $0x7  }
0x25: {  	_ =	swait.ge @!p0 [sflag:s4], $0xFA0  }
0x26: {  	[sflag:s4] =	ssyncset.done @!p0 $0x0  }
0x27: {  	[sflag:s4] =	ssyncadd.s32 @!p0 $0xFFFFF060  }
0x28: {  	[bflag:$0x0] =	sbarrier.arrive $0xFFFF  }
0x29: {  	s8 =	rddreg [dreg:$0x5]  }
0x2a: {  	[tilespmem:s10], [sflag:$0x1] =	stream.linear.gather [hbm4b:s8+s2], $0x320, $0x38;
	[tilespmem:$0xD610] =	vst v63  }
0x2b: {  	s9 =	rddreg [dreg:$0x6]  }
0x2c: {  	[tilespmem:s11], [sflag:$0x2] =	stream.linear.gather [hbm4b:s9+s2], $0x320, $0x38;
	[tilespmem:$0xD610] =	vst v63  }
0x2d: {  	_ =	swait.ge [sflag:s12], $0x320  }
0x2e: {  	[sflag:s12] =	ssyncset.done $0x0  }
0x2f: {  	[sflag:s12] =	ssyncadd.s32 $0xFFFFFCE0  }
0x30: {  	[tilespmem:s14], [sflag:$0x3] =	stream.indirect.gather [spmem:s1], $0x20, s10, s13, $0xb8;
	[tilespmem:$0xD610] =	vst v63  }
0x31: {  	_ = 	snop  }
0x32: {  	[tilespmem:s16], [sflag:$0x3] =	stream.indirect.gather [spmem:s1], $0x20, s15, s13, $0xb8;
	[tilespmem:$0xD610] =	vst v63  }
0x33: {  	_ = 	snop  }
0x34: {  	[tilespmem:s18], [sflag:$0x3] =	stream.indirect.gather [spmem:s1], $0x20, s17, s13, $0xb8;
	[tilespmem:$0xD610] =	vst v63  }
0x35: {  	s4 =	simm.s32 $0x0;
	s8 =	rddreg [dreg:$0x8]  }
0x36: {  	[tilespmem:s20], [sflag:$0x3] =	stream.indirect.gather [spmem:s1], $0x20, s19, s13, $0xb8;
	[tilespmem:$0xD610] =	vst v63  }
.LBB2_2:
0x37: {  	_ =	swait.ge [sflag:s21], $0x1900  }
0x38: {  	[sflag:s21] =	ssyncset.done $0x0  }
0x39: {  	[sflag:s21] =	ssyncadd.s32 $0xFFFFE700  }
0x3a: {  	_ =	swait.ge [sflag:s21], $0x1900  }
0x3b: {  	[sflag:s21] =	ssyncset.done $0x0  }
0x3c: {  	[sflag:s21] =	ssyncadd.s32 $0xFFFFE700  }
0x3d: {  	_ =	swait.ge [sflag:s21], $0x1900  }
0x3e: {  	[sflag:s21] =	ssyncset.done $0x0  }
0x3f: {  	[sflag:s21] =	ssyncadd.s32 $0xFFFFE700  }
0x40: {  	_ =	swait.ge [sflag:s21], $0x1900  }
0x41: {  	[sflag:s21] =	ssyncset.done $0x0  }
0x42: {  	[sflag:s21] =	ssyncadd.s32 $0xFFFFE700  }
0x43: {  	[hbm4b:s8+s2] =	stream.linear.scatter [tilespmem:s14], [sflag:$0x5], $0x6400, $0x38;
	[tilespmem:$0xD610] =	vst v63  }
0x44: {  	_ =	swait.ge [sflag:s22], $0x320  }
0x45: {  	p1 =	seq.s32 s4, $0x0;
	[sflag:s22] =	ssyncset.done $0x0  }
0x46: {  	s9 =	simm.s32 @!p1 $0x6;
	[sflag:s22] =	ssyncadd.s32 $0xFFFFFCE0  }
0x47: {  	_ =	swait.ge @!p1 [sflag:s9], $0x6400  }
0x48: {  	[sflag:s9] =	ssyncset.done @!p1 $0x0  }
0x49: {  	[sflag:s9] =	ssyncadd.s32 @!p1 $0xFFFF9C00  }
0x4a: {  	[tilespmem:s23], [sflag:$0x4] =	stream.indirect.gather [spmem:s1], $0x20, s11, s13, $0xb8;
	[tilespmem:$0xD610] =	vst v63  }
0x4b: {  	_ = 	snop  }
0x4c: {  	[tilespmem:s25], [sflag:$0x4] =	stream.indirect.gather [spmem:s1], $0x20, s24, s13, $0xb8;
	[tilespmem:$0xD610] =	vst v63  }
0x4d: {  	p1 =	seq.s32 s4, $0x3138  }
0x4e: {  	[tilespmem:s28], [sflag:$0x4] =	stream.indirect.gather [spmem:s1], $0x20, s26, s13, $0xb8;
	[tilespmem:$0xD610] =	vst v63  }
0x4f: {  	s9 =	sadd.s32 @!p1 s4, s7  }
0x50: {  	[tilespmem:s30], [sflag:$0x4] =	stream.indirect.gather [spmem:s1], $0x20, s29, s13, $0xb8;
	[tilespmem:$0xD610] =	vst v63  }
0x51: {  	s6 =	simm.s32 @!p1 $0x0;
	s3 =	simm.s32 @!p1 $0x7D0;
	s9 =	sadd.s32 @!p1 $0xC8, s9  }
0x52: {  	[tilespmem:s3], [sflag:$0x1] =	stream.linear.gather @!p1 [hbm4b:s9+s6], $0x320, $0x38;
	[tilespmem:$0xD610] =	vst v63  }
0x53: {  	_ =	swait.ge [sflag:s31], $0x1900  }
0x54: {  	[sflag:s31] =	ssyncset.done $0x0  }
0x55: {  	[sflag:s31] =	ssyncadd.s32 $0xFFFFE700  }
0x56: {  	_ =	swait.ge [sflag:s31], $0x1900  }
0x57: {  	[sflag:s31] =	ssyncset.done $0x0  }
0x58: {  	[sflag:s31] =	ssyncadd.s32 $0xFFFFE700  }
0x59: {  	_ =	swait.ge [sflag:s31], $0x1900  }
0x5a: {  	[sflag:s31] =	ssyncset.done $0x0  }
.Ltmp2:
0x5b: {  	[sflag:s31] =	ssyncadd.s32 $0xFFFFE700;
	(pc) =	sbr.rel @p1 .LBB2_4-.Ltmp2, $4  }
0x5c: {  	_ =	swait.ge [sflag:s31], $0x1900  }
0x5d: {  	[sflag:s31] =	ssyncset.done $0x0  }
0x5e: {  	s9 =	sadd.s32 $0xC80, s8;
	[sflag:s31] =	ssyncadd.s32 $0xFFFFE700  }
0x5f: {  	[hbm4b:s9+s2] =	stream.linear.scatter [tilespmem:s23], [sflag:$0x6], $0x6400, $0x38;
	[tilespmem:$0xD610] =	vst v63  }
0x60: {  	_ =	swait.ge [sflag:s12], $0x320  }
0x61: {  	[sflag:s12] =	ssyncset.done $0x0  }
0x62: {  	[sflag:s12] =	ssyncadd.s32 $0xFFFFFCE0  }
0x63: {  	_ =	swait.ge [sflag:s0], $0x6400  }
0x64: {  	[sflag:s0] =	ssyncset.done $0x0  }
0x65: {  	[sflag:s0] =	ssyncadd.s32 $0xFFFF9C00  }
0x66: {  	[tilespmem:s14], [sflag:$0x3] =	stream.indirect.gather [spmem:s1], $0x20, s10, s13, $0xb8;
	[tilespmem:$0xD610] =	vst v63  }
0x67: {  	_ = 	snop  }
0x68: {  	[tilespmem:s16], [sflag:$0x3] =	stream.indirect.gather [spmem:s1], $0x20, s15, s13, $0xb8;
	[tilespmem:$0xD610] =	vst v63  }
0x69: {  	_ = 	snop  }
0x6a: {  	[tilespmem:s18], [sflag:$0x3] =	stream.indirect.gather [spmem:s1], $0x20, s17, s13, $0xb8;
	[tilespmem:$0xD610] =	vst v63  }
.Ltmp3:
0x6b: {  	_ = 	snop;
	(pc) =	sbr.rel .LBB2_2-.Ltmp3, $4  }
0x6c: {  	s3 =	sadd.s32 s4, s7  }
0x6d: {  	[tilespmem:s20], [sflag:$0x3] =	stream.indirect.gather [spmem:s1], $0x20, s19, s13, $0xb8;
	[tilespmem:$0xD610] =	vst v63  }
0x6e: {  	s4 =	sadd.s32 $0xC8, s4;
	s8 =	sadd.s32 $0x1900, s8;
	s3 =	sadd.s32 $0x12C, s3  }
0x6f: {  	[tilespmem:s11], [sflag:$0x2] =	stream.linear.gather [hbm4b:s3+s2], $0x320, $0x38;
	[tilespmem:$0xD610] =	vst v63  }
.LBB2_5:
0x70: {  	_ =	sfence.sel $0x180000  }
0x71: {  	[bflag:$0x0] =	sbarrier.arrive $0xFFFF  }
0x72: {  	_ =	strace $0x90000047  }
0x73: {  	[bflag:$0x2] =	sbarrier.arrive $0xFFFF  }
0x74: {  	s0 =	rddreg [dreg:$0x3]  }
0x75: {  	s0 =	sadd.s32 @!p0 $0x100000, s0  }
0x76: {  	[sflag:s0] =	ssyncadd.tile.s32 @!p0 $0x1;
	_ =	shalt  }
.Lfunc_end2:
_tile_overlayer_lowered:
.L_overlay_start_2:
0x77: {  	(tag) =	ssettag $0x2  }
0x78: {  	s0 =	rddreg [dreg:$0x0];
	s2 =	stileid.u32  }
0x79: {  	s1 =	rddreg [dreg:$0x1];
	p0 =	sne.s32 s2, $0x0  }
0x7a: {  	s3 =	rddreg [dreg:$0x2];
	[bflag:$0x3] =	sbarrier.arrive $0xFFFF;
	s2 =	simm.s32 @!p0 $0x1C07  }
0x7b: {  	[timem:s3], [sflag:s2] =	dma.local @!p0 [hbm:s0], s1  }
0x7c: {  	s0 =	simm.s32 @!p0 $0x7  }
0x7d: {  	_ =	swait.ge @!p0 [sflag:s0], s1  }
0x7e: {  	s1 =	ssub.s32 @!p0 $0x0, s1;
	[sflag:s0] =	ssyncset.done @!p0 $0x0  }
0x7f: {  	[sflag:s0] =	ssyncadd.s32 @!p0 s1  }
0x80: {  	[bflag:$0x3] =	sbarrier.arrive $0xFFFF  }
0x81: {  	_ =	shalt  }

// kernel: sparse-core-data-format-call.cloned.1.call-start
scs
called_computation_lowered:
.L_overlay_start_0:
0x0: {  	s2 =	sld [smem:$0x3FD9]  }
0x1: {  	s3 =	sld [smem:$0x3FFE];
	_ =	sdelay $0x1  }
0x2: {  	s1 =	srdreg.scid  }
0x3: {  	s0 =	sand.u32 $0x1, s1  }
0x4: {  	s18 =	sshll.u32 s0, $0xA;
	s2 =	sadd.s32 s3, s2  }
0x5: {  	s2 =	sadd.s32 s2, s18  }
0x6: {  	[smem:$0x3FC6] =	sst s2  }
0x7: {  	_ = 	snop  }
0x8: {  	s2 =	sld [smem:$0x3FD0];
	(tm) =	ssettm $0x1  }
0x9: {  	s19 =	sld [smem:$0x3FFB];
	_ =	sdelay $0x3  }
0xa: {  	_ =	strace s19  }
0xb: {  	s3 =	sld [smem:$0x3FFC];
	_ =	sdelay $0x3  }
0xc: {  	_ =	strace s3  }
0xd: {  	s3 =	sld [smem:$0x3FFD];
	_ =	sdelay $0x3  }
0xe: {  	_ =	strace s3  }
0xf: {  	_ =	strace $0x8FFFFFFF  }
0x10: {  	s20 =	sld [smem:$0x3FDB];
	_ =	sdelay $0x1  }
0x11: {  	s4 =	simm.s32 $_scs_section_size  }
0x12: {  	s5 =	simm.s32 $_size__tile_overlayer_lowered;
	s6 =	simm.s32 $_tile_overlayer_lowered  }
0x13: {  	s23 =	simm.s32 $0x1BFF;
	s22 =	sshll.u32 s6, $0x1;
	s3 =	sadd.s32 s4, s20  }
0x14: {  	s7 =	simm.s32 $0x0;
	s21 =	sshll.u32 s5, $0x1;
	s5 =	sadd.s32 s22, s3  }
0x15: {  	[timem:s7], [sflag:s23] =	dma.local [hbm:s5], s21  }
0x16: {  	_ =	swait.ge [sflag:s23], s21  }
0x17: {  	s4 =	ssub.s32 $0x0, s21;
	[sflag:s23] =	ssyncset.done $0x0  }
0x18: {  	[sflag:s23] =	ssyncadd.s32 s4;
	_ =	sdelay $0x1  }
0x19: {  	s24 =	simm.s32 $0x1B8B  }
0x1a: {  	_ =	swait.ge [sflag:s24], $0x1  }
0x1b: {  	[sflag:s24] =	ssyncset.done $0x0  }
0x1c: {  	s26 =	simm.s32 $0x1B8E;
	s25 =	sld [smem:$0x3FFE];
	[sflag:s24] =	ssyncadd.s32 $0xFFFFFFFF  }
0x1d: {  	s27 =	simm.s32 $execute0_lowered;
	[smem:$0x3FD2] =	sst s26  }
0x1e: {  	s5 =	sshll.u32 s27, $0x1;
	_ =	strace $0x80000049;
	[dreg:$0x1] =	wrdreg $0xFFFFFFFF  }
0x1f: {  	s28 =	simm.s32 $_size_execute0_lowered;
	s3 =	sadd.s32 s3, s5;
	[dreg:$0x0] =	wrdreg $0x0  }
0x20: {  	s5 =	sshll.u32 s28, $0x1;
	[dreg:$0x2] =	wrdreg s3  }
0x21: {  	[dreg:$0x3] =	wrdreg s5  }
0x22: {  	[dreg:$0x4] =	wrdreg $0xC0  }
0x23: {  	_ =	task [dreg:s7], $0x5FFFF  }
0x24: {  	[dreg:$0x1] =	wrdreg $0xFFFFFFFF  }
0x25: {  	[dreg:$0x0] =	wrdreg $0x60  }
0x26: {  	[dreg:$0x2] =	wrdreg s25  }
0x27: {  	[dreg:$0x3] =	wrdreg s2  }
0x28: {  	[dreg:$0x4] =	wrdreg $0x9  }
0x29: {  	_ =	task.clear_ibuf [dreg:s7], $0x5FFFF;
	_ =	strace $0x90000049  }
0x2a: {  	s29 =	simm.s32 $0x9;
	_ =	strace $0x8000004B  }
0x2b: {  	_ =	swait.ge [sflag:s29], $0x1  }
0x2c: {  	[sflag:s29] =	ssyncadd.s32 $0xFFFFFFFF  }
0x2d: {  	_ =	strace $0x9000004B  }
0x2e: {  	_ =	sfence  }
0x2f: {  	s30 =	sld [smem:$0x0];
	_ =	sdelay $0x2  }
0x30: {  	s31 =	sshll.u32 s1, $0xD;
	s1 =	sshrl.u32 s1, $0x2  }
0x31: {  	s3 =	sand.u32 $0x4000, s31;
	s1 =	sadd.s32 s1, s30  }
0x32: {  	s0 =	sor.u32 s3, s0;
	s1 =	sshll.u32 s1, $0x11  }
0x33: {  	s0 =	sor.u32 s1, s0  }
0x34: {  	s0 =	sadd.s32 $0x8F2B, s0  }
0x35: {  	[sflag:s0] =	ssyncadd.remote.s32 $0x1  }
0x36: {  	_ =	sfence.sel $0xFFFF  }
0x37: {  	[dreg:$0x0] =	wrdreg $0xFFFFFFFF;
	(pc) =	sbr.abs _section_cstart, $3  }
0x38: {  	[dreg:$0x1] =	wrdreg $0xFFFFFFFF  }
0x39: {  	_ =	task.clear_ibuf [dreg:s7], $0x2FFFF;
	_ =	strace $0x9FFFFFFF  }
0x3a: {  	(tm) =	ssettm $0x7FFFFFFF  }
0x3b: {  	_ =	shalt  }
tec
execute0_lowered:
.L_overlay_start_1:
0x0: {  	(tag) =	ssettag $0x1  }
0x1: {  	s0 =	srdreg.scid  }
0x2: {  	s1 =	sshll.u32 s0, $0x4  }
0x3: {  	s0 =	stileid.u32;
	s1 =	sand.u32 $0x10, s1  }
0x4: {  	s1 =	sor.u32 s0, s1  }
0x5: {  	s6 =	rddreg [dreg:$0x0];
	s4 =	simm.s32 $0x1;
	s2 =	sshll.u32 s1, $0x7  }
0x6: {  	s7 =	simm.s32 $0x2;
	s12 =	simm.s32 $0x0;
	s1 =	ssub.s32 $0x4000, s2  }
0x7: {  	s8 =	simm.s32 $0x20000;
	s13 =	simm.s32 $0x0;
	s3 =	sand.u32 $0xF80, s1  }
0x8: {  	s9 =	simm.s32 $0x0;
	s5 =	sshrl.u32 s1, $0xC;
	p0 =	sne.s32 s3, $0x0  }
.Ltmp0:
0x9: {  	s1 =	rddreg [dreg:$0x2];
	s4 =	simm.s32 @!p0 $0x0;
	(pc) =	sbr.rel .LBB1_1-.Ltmp0, $4  }
0xa: {  	s11 =	simm.s32 $0x0;
	s3 =	rddreg [dreg:$0x1];
	s5 =	sadd.s32 s4, s5  }
0xb: {  	_ =	strace $0x8000004A;
	s4 =	simm.s32 $0x1;
	s5 =	smul.u32 $0xC8, s5  }
0xc: {  	s6 =	sadd.s32 $0x800, s6;
	s10 =	smov.u32 s2;
	[sflag:s4] =	ssyncpa.u1 $0x0  }
0xd: {  	p0 =	por $0x0, $0x0;
	[sflag:s7] =	ssyncpa.u1 $0x0;
	s7 =	sor.u32 $0x1, s5  }
.LBB1_4:
0xe: {  	s16 =	sshll.u32 s13, $0x3;
	s17 =	sand.u32 $0x78, s13  }
0xf: {  	s30 =	sand.u32 $0xF800, s13;
	s12 =	sshll.u32 s12, $0x10;
	s16 =	sand.u32 $0x3C00, s16  }
0x10: {  	s31 =	sand.u32 $0x7, s13;
	s16 =	sor.u32 s17, s16;
	s17 =	sadd.s32 s3, s30  }
0x11: {  	s13 =	sshll.u32 s31, $0x12;
	s16 =	sshrl.u32 s16, $0x3;
	s12 =	sadd.s32 s12, s17  }
0x12: {  	[tilespmem:s15+$0x0 ss:$0x81] =	vst.msk $0xffff, v0;
	s13 =	sor.u32 $0x400, s13;
	s12 =	sadd.s32 s16, s12  }
0x13: {  	[hbm4b:s12+s13] =	stream.strided.scatter [tilespmem:s14], [sflag:$0x2], $0x1000, s8, s13, $0x20;
	[tilespmem:$0x4040] =	vst v63  }
.LBB1_5:
0x14: {  	s14 =	sadd.s32 $0x1, s9  }
0x15: {  	s12 =	sadd.s32 $0x1000, s10;
	s16 =	smov.u32 s10;
	p2 =	sgt.s32 s14, $0xC7  }
0x16: {  	s16 =	smov.u32 @p2 s12  }
0x17: {  	s14 =	simm.s32 @p2 $0x0;
	p2 =	sgt.s32 s16, $0x3FFF  }
0x18: {  	s16 =	smov.u32 @p2 s2;
	p2 =	sne.s32 s11, s7  }
.Ltmp1:
0x19: {  	p1 =	slt.u32 s11, $0x2;
	(pc) =	sbr.rel @!p2 .LBB1_6-.Ltmp1, $4  }
0x1a: {  	s15 =	simm.s32 @!p1 $0x2  }
0x1b: {  	s13 =	smov.u32 s10;
	p0 =	por !p0, !p0;
	_ =	swait.ge @!p1 [sflag:s15], $0x1000  }
0x1c: {  	s12 =	smov.u32 s9;
	[sflag:s15] =	ssyncset.done @!p1 $0x0;
	s9 =	smov.u32 s14  }
0x1d: {  	s11 =	sadd.s32 $0x1, s11;
	[sflag:s15] =	ssyncadd.s32 @!p1 $0xFFFFF000;
	s10 =	smov.u32 s16  }
.LBB1_1:
0x1e: {  	p1 =	sge.u32 s11, s5  }
0x1f: {  	s14 =	sand.u32 @!p1 $0x1FFFFFF, s9  }
0x20: {  	s15 =	smulhi.u32 @!p1 $0x147AE15, s14;
	_ =	sdelay $0x1  }
0x21: {  	s15 =	smul.u32 @!p1 $0xC8, s15  }
0x22: {  	s16 =	sxor.u32 @!p1 $0xFFFFFFFF, s11;
	s17 =	smul.u32 @!p1 $0xC80, s10  }
0x23: {  	s31 =	sadd.s32 $0xFFFFFFFF, s11;
	s16 =	sshll.u32 @!p1 s16, $0xC;
	s14 =	ssub.s32 @!p1 s14, s15  }
0x24: {  	s15 =	sand.u32 @!p1 $0x1000, s16;
	s16 =	sadd.s32 @!p1 s6, s17;
	s14 =	sshll.u32 @!p1 s14, $0x4  }
0x25: {  	s17 =	simm.s32 @!p1 $0x6400;
	s14 =	sadd.s32 @!p1 s14, s16;
	s16 =	simm.s32 @!p1 $0x20  }
0x26: {  	[tilespmem:s15], [sflag:$0x1] =	stream.strided.gather @!p1 [hbm4b:s14+s16], $0x1000, s17, s16, $0x38;
	[tilespmem:$0x4040] =	vst v63  }
0x27: {  	p1 =	sge.u32 s31, s5  }
.Ltmp2:
0x28: {  	_ = 	snop;
	(pc) =	sbr.rel @p1 .LBB1_5-.Ltmp2, $1  }
0x29: {  	_ =	sdelay $0x3  }
0x2a: {  	s14 =	simm.s32 $0x1  }
0x2b: {  	_ =	swait.ge [sflag:s4], $0x1000;
	s14 =	simm.s32 @!p0 $0x0  }
0x2c: {  	[sflag:s4] =	ssyncset.done $0x0;
	s15 =	sshll.u32 s14, $0xC  }
0x2d: {  	[sflag:s4] =	ssyncadd.s32 $0xFFFFF000;
	s18 =	sor.u32 $0x10, s15  }
0x2e: {  	s14 =	smul.u32 $0x4080, s14;
	v1 =	vld [tilespmem:s18+$0x0]  }
0x2f: {  	s30 =	sand.u32 $0x1, s11;
	v0 =	vld [tilespmem:s18+$0xFFFFFFF0]  }
0x30: {  	s15 =	smul.u32 $0x4080, s30;
	s14 =	sshrl.u32 s14, $0x2  }
0x31: {  	s16 =	sor.u32 $0x2000, s14  }
0x32: {  	s31 =	sshrl.u32 s15, $0x2;
	s15 =	sadd.s32 $0x0, s16  }
0x33: {  	s17 =	simm.s32 $0x4;
	s18 =	sadd.s32 $0x20, s18;
	s14 =	sor.u32 $0x2000, s31;
	[tilespmem:s15+$0x810 ss:$0x81] =	vst.msk $0xffff, v1  }
.LBB1_3:
0x34: {  	v1 =	vld [tilespmem:s18+$0x0];
	p1 =	sne.s32 s17, $0x1FC;
	[tilespmem:s15+$0x0 ss:$0x81] =	vst.msk $0xffff, v0;
	s15 =	smov.u32 s17;
	s17 =	sadd.s32 $0x4, s17  }
.Ltmp3:
0x35: {  	v0 =	vld [tilespmem:s18+$0xFFFFFFF0];
	(pc) =	sbr.rel @p1 .LBB1_3-.Ltmp3, $4  }
0x36: {  	_ = 	snop  }
0x37: {  	s15 =	sshra.s32 s15, $0x2  }
0x38: {  	s15 =	sadd.s32 s15, s16  }
0x39: {  	s18 =	sadd.s32 $0x20, s18;
	[tilespmem:s15+$0x810 ss:$0x81] =	vst.msk $0xffff, v1  }
.Ltmp4:
0x3a: {  	_ = 	snop;
	(pc) =	sbr.rel .LBB1_4-.Ltmp4, $1  }
0x3b: {  	_ =	sdelay $0x3  }
.LBB1_6:
0x3c: {  	_ =	sfence.sel $0x180000  }
0x3d: {  	s2 =	simm.s32 $0x1;
	[bflag:$0x0] =	sbarrier.arrive $0xFFFF  }
0x3e: {  	s31 =	simm.s32 $0x2;
	[sflag:s2] =	ssyncpa.u1 $0x1  }
0x3f: {  	[sflag:s31] =	ssyncpa.u1 $0x1  }
0x40: {  	p0 =	sne.s32 s0, $0x0;
	_ =	strace $0x9000004A  }
0x41: {  	s0 =	sadd.s32 @!p0 $0x100000, s1;
	[bflag:$0x2] =	sbarrier.arrive $0xFFFF  }
0x42: {  	[sflag:s0] =	ssyncadd.tile.s32 @!p0 $0x1;
	_ =	shalt  }
.Lfunc_end1:
_tile_overlayer_lowered:
.L_overlay_start_2:
0x43: {  	(tag) =	ssettag $0x2  }
0x44: {  	s0 =	rddreg [dreg:$0x0];
	s2 =	stileid.u32  }
0x45: {  	s1 =	rddreg [dreg:$0x1];
	p0 =	sne.s32 s2, $0x0  }
0x46: {  	s3 =	rddreg [dreg:$0x2];
	[bflag:$0x3] =	sbarrier.arrive $0xFFFF;
	s2 =	simm.s32 @!p0 $0x1C01  }
0x47: {  	[timem:s3], [sflag:s2] =	dma.local @!p0 [hbm:s0], s1  }
0x48: {  	s0 =	simm.s32 @!p0 $0x1  }
0x49: {  	_ =	swait.ge @!p0 [sflag:s0], s1  }
0x4a: {  	s1 =	ssub.s32 @!p0 $0x0, s1;
	[sflag:s0] =	ssyncset.done @!p0 $0x0  }
0x4b: {  	[sflag:s0] =	ssyncadd.s32 @!p0 s1  }
0x4c: {  	[bflag:$0x3] =	sbarrier.arrive $0xFFFF  }
0x4d: {  	_ =	shalt  }

</sc_bundles>
